<compile_context>
chip_gen: v7x
topology: tpu7x:2x2x1
jax: 0.10.2.dev20260603
libtpu: 0.0.44.dev20260713+nightly
codegen_flags: <defaults>
</compile_context>

<pallas_src>
import functools

import jax
import jax.numpy as jnp
from jax import lax
from jax.experimental import pallas as pl
from jax.experimental.pallas import tpu as pltpu
from jax.experimental.pallas import tpu_sc as plsc

VOCAB = 1000000
EMBED = 64
BATCH = 4096
SEQ = 200
NTOK = BATCH * SEQ

_NC = 2
_NS = 16
_NW = _NC * _NS
_RPW = BATCH // _NW
_BPW = _RPW * SEQ
_GRP = 2
_NG = _RPW // _GRP


def _make_emb():
    mesh = plsc.VectorSubcoreMesh(core_axis_name="c", subcore_axis_name="s")

    @functools.partial(
        pl.kernel,
        mesh=mesh,
        out_type=jax.ShapeDtypeStruct((BATCH, SEQ, EMBED), jnp.float32),
        compiler_params=pltpu.CompilerParams(
            use_tc_tiling_on_sc=False,
            disable_bounds_checks=True,
            disable_semaphore_checks=True),
        scratch_types=[
            pltpu.VMEM((_BPW,), jnp.int32),
            pltpu.VMEM((2 * _GRP, SEQ, EMBED), jnp.float32),
            pltpu.SemaphoreType.DMA,
            pltpu.SemaphoreType.DMA,
        ],
    )
    def emb(idx_hbm, table_hbm, out_hbm, idx_v, bufs, gsem, wsem):
        wid = lax.axis_index("s") * _NC + lax.axis_index("c")
        base = wid * _BPW
        row0 = wid * _RPW
        pltpu.sync_copy(idx_hbm.at[pl.ds(base, _BPW)], idx_v)

        def gstart(r, b):
            pltpu.make_async_copy(
                table_hbm.at[idx_v.at[pl.ds(r * SEQ, SEQ)]], bufs.at[b],
                gsem).start()

        def gwait(b):
            pltpu.make_async_copy(
                table_hbm.at[idx_v.at[pl.ds(0, SEQ)]], bufs.at[b],
                gsem).wait()

        def wstart(r, b):
            pltpu.make_async_copy(
                bufs.at[b], out_hbm.at[row0 + r], wsem).start()

        def wwait(b):
            pltpu.make_async_copy(
                bufs.at[b], out_hbm.at[row0], wsem).wait()

        def g_start(g, bb):
            for b in range(_GRP):
                gstart(g * _GRP + b, bb + b)

        def g_wait(bb):
            for b in range(_GRP):
                gwait(bb + b)

        def w_start(g, bb):
            for b in range(_GRP):
                wstart(g * _GRP + b, bb + b)

        def w_wait(bb):
            for b in range(_GRP):
                wwait(bb + b)

        g_start(0, 0)
        g_wait(0)
        w_start(0, 0)
        g_start(1, _GRP)

        def body(j, carry):
            g1 = 2 * j + 1
            g_wait(_GRP)
            w_wait(0)
            w_start(g1, _GRP)
            g_start(g1 + 1, 0)
            g2 = g1 + 1
            g_wait(0)
            w_wait(_GRP)
            w_start(g2, 0)
            g_start(g2 + 1, _GRP)
            return carry

        lax.fori_loop(0, (_NG - 2) // 2, body, 0)
        g_wait(_GRP)
        w_wait(0)
        w_start(_NG - 1, _GRP)
        w_wait(_GRP)

    return emb


_emb = _make_emb()


def kernel(input, word_embed):
    idx = input.reshape(-1).astype(jnp.int32)
    return _emb(idx, word_embed)

# --- scband reference (transcript-rebuilt; emitter-appended) ---
"""Pipeline reference for scband-embedding-57380763074609 (READ-ONLY COPY).

The authoritative reference and input builder live on the scoring server;
editing this copy changes nothing except your own understanding.
"""

import jax, jax.numpy as jnp
import numpy as np

VOCAB = 1000000
EMBED = 64
BATCH = 4096
SEQ = 200

def setup_inputs(seed: int = 0) -> dict:
    key = jax.random.key(seed)
    k_idx, k_tab = jax.random.split(key)
    input = jax.random.randint(k_idx, (BATCH, SEQ), 0, VOCAB, dtype=jnp.int64 if jax.config.jax_enable_x64 else jnp.int32)
    word_embed = jax.random.normal(k_tab, (VOCAB, EMBED), dtype=jnp.float32) * 0.02
    return {"input": input, "word_embed": word_embed}

def reference(input, word_embed):
    # output: [batch_size, seq_len, embed_size]
    output = jnp.take(word_embed, input, axis=0)
    return output

if __name__ == "__main__":
    import jax
    _d = setup_inputs()
    print(jax.jit(kernel)(*tuple(_d.values())))

</pallas_src>

<mosaic_0001>
#map = affine_map<(d0, d1) -> (0)>
#map1 = affine_map<(d0, d1) -> (0, 0)>
#map2 = affine_map<(d0, d1) -> (0, 0, 0)>
module attributes {stable_mosaic.version = 14 : i64} {
  func.func @emb(%arg0: i32, %arg1: i32, %arg2: memref<819200xi32, #tpu.memory_space<hbm>>, %arg3: memref<1000000x64xf32, #tpu.memory_space<hbm>>, %arg4: memref<4096x200x64xf32, #tpu.memory_space<hbm>>, %arg5: memref<25600xi32, #tpu.memory_space<vmem>>, %arg6: memref<4x200x64xf32, #tpu.memory_space<vmem>>, %arg7: memref<!tpu.dma_semaphore, #tpu.memory_space<semaphore_mem>>, %arg8: memref<!tpu.dma_semaphore, #tpu.memory_space<semaphore_mem>>) attributes {dimension_semantics = [#tpu.dimension_semantics<core_parallel>, #tpu.dimension_semantics<subcore_parallel>], iteration_bounds = array<i64: 2, 16>, scalar_prefetch = 0 : i64, scratch_operands = 4 : i64, tpu.core_type = #tpu.core_type<sc_vector_subcore>, window_params = [{transform_indices = #map}, {transform_indices = #map1}, {transform_indices = #map2}]} {
    %mul3A = arith.constant 2 : i32
    %mul3A_0 = arith.muli %arg1, %mul3A : i32
    %add3A = arith.addi %mul3A_0, %arg0 : i32
    %mul3A_1 = arith.constant 25600 : i32
    %mul3A_2 = arith.muli %add3A, %mul3A_1 : i32
    %mul3A_3 = arith.constant 128 : i32
    %mul3A_4 = arith.muli %add3A, %mul3A_3 : i32
    "tpu.region"() ({
      %run_scoped3A = tpu.sem_alloc : memref<!tpu.dma_semaphore, #tpu.memory_space<semaphore_mem>>
      %dma_start3A_232 = tpu.memref_slice %arg2[%mul3A_2] : memref<819200xi32, #tpu.memory_space<hbm>> -> memref<25600xi32, #tpu.memory_space<hbm>>
      %dma_start3A_233 = tpu.memref_slice %arg2[%mul3A_2] : memref<819200xi32, #tpu.memory_space<hbm>> -> memref<25600xi32, #tpu.memory_space<hbm>>
      tpu.enqueue_dma source(%dma_start3A_233 : memref<25600xi32, #tpu.memory_space<hbm>>) target(%arg5 : memref<25600xi32, #tpu.memory_space<vmem>>) target_semaphore(%run_scoped3A : memref<!tpu.dma_semaphore, #tpu.memory_space<semaphore_mem>>)
      %dma_wait3A_234 = tpu.memref_slice %arg2[%mul3A_2] : memref<819200xi32, #tpu.memory_space<hbm>> -> memref<25600xi32, #tpu.memory_space<hbm>>
      %dma_wait3A_235 = tpu.memref_slice %arg2[%mul3A_2] : memref<819200xi32, #tpu.memory_space<hbm>> -> memref<25600xi32, #tpu.memory_space<hbm>>
      tpu.wait_dma2 semaphore(%run_scoped3A : memref<!tpu.dma_semaphore, #tpu.memory_space<semaphore_mem>>) src(%dma_wait3A_235 : memref<25600xi32, #tpu.memory_space<hbm>>) dst(%arg5 : memref<25600xi32, #tpu.memory_space<vmem>>)
      tpu.yield
    }) : () -> ()
    %dma_start3A = arith.constant 0 : i32
    %dma_start3A_5 = arith.constant 0 : i32
    %dma_start3A_6 = arith.constant 0 : i32
    %dma_start3A_7 = tpu.memref_slice %arg6[%dma_start3A, %dma_start3A_5, %dma_start3A_6] : memref<4x200x64xf32, #tpu.memory_space<vmem>> -> memref<1x200x64xf32, #tpu.memory_space<vmem>>
    %dma_start3A_8 = tpu.memref_squeeze %dma_start3A_7 : memref<1x200x64xf32, #tpu.memory_space<vmem>> -> memref<200x64xf32, #tpu.memory_space<vmem>>
    %dma_start3A_9 = arith.constant 0 : i32
    %dma_start3A_10 = tpu.memref_slice %arg5[%dma_start3A_9] : memref<25600xi32, #tpu.memory_space<vmem>> -> memref<200xi32, #tpu.memory_space<vmem>>
    %dma_start3A_11 = arith.constant 0 : i32
    %dma_start3A_12 = arith.constant 0 : i32
    %dma_start3A_13 = tpu.memref_slice %arg3[%dma_start3A_11, %dma_start3A_12] : memref<1000000x64xf32, #tpu.memory_space<hbm>> -> memref<1000000x64xf32, #tpu.memory_space<hbm>>
    tpu.enqueue_indirect_dma source(%dma_start3A_13 : memref<1000000x64xf32, #tpu.memory_space<hbm>>) target(%dma_start3A_8 : memref<200x64xf32, #tpu.memory_space<vmem>>) offsets(%dma_start3A_10 : memref<200xi32, #tpu.memory_space<vmem>>) semaphore(%arg7 : memref<!tpu.dma_semaphore, #tpu.memory_space<semaphore_mem>>)
    %dma_start3A_14 = arith.constant 1 : i32
    %dma_start3A_15 = arith.constant 0 : i32
    %dma_start3A_16 = arith.constant 0 : i32
    %dma_start3A_17 = tpu.memref_slice %arg6[%dma_start3A_14, %dma_start3A_15, %dma_start3A_16] : memref<4x200x64xf32, #tpu.memory_space<vmem>> -> memref<1x200x64xf32, #tpu.memory_space<vmem>>
    %dma_start3A_18 = tpu.memref_squeeze %dma_start3A_17 : memref<1x200x64xf32, #tpu.memory_space<vmem>> -> memref<200x64xf32, #tpu.memory_space<vmem>>
    %dma_start3A_19 = arith.constant 200 : i32
    %dma_start3A_20 = tpu.memref_slice %arg5[%dma_start3A_19] : memref<25600xi32, #tpu.memory_space<vmem>> -> memref<200xi32, #tpu.memory_space<vmem>>
    %dma_start3A_21 = arith.constant 0 : i32
    %dma_start3A_22 = arith.constant 0 : i32
    %dma_start3A_23 = tpu.memref_slice %arg3[%dma_start3A_21, %dma_start3A_22] : memref<1000000x64xf32, #tpu.memory_space<hbm>> -> memref<1000000x64xf32, #tpu.memory_space<hbm>>
    tpu.enqueue_indirect_dma source(%dma_start3A_23 : memref<1000000x64xf32, #tpu.memory_space<hbm>>) target(%dma_start3A_18 : memref<200x64xf32, #tpu.memory_space<vmem>>) offsets(%dma_start3A_20 : memref<200xi32, #tpu.memory_space<vmem>>) semaphore(%arg7 : memref<!tpu.dma_semaphore, #tpu.memory_space<semaphore_mem>>)
    %dma_wait3A = arith.constant 0 : i32
    %dma_wait3A_24 = arith.constant 0 : i32
    %dma_wait3A_25 = arith.constant 0 : i32
    %dma_wait3A_26 = tpu.memref_slice %arg6[%dma_wait3A, %dma_wait3A_24, %dma_wait3A_25] : memref<4x200x64xf32, #tpu.memory_space<vmem>> -> memref<1x200x64xf32, #tpu.memory_space<vmem>>
    %dma_wait3A_27 = tpu.memref_squeeze %dma_wait3A_26 : memref<1x200x64xf32, #tpu.memory_space<vmem>> -> memref<200x64xf32, #tpu.memory_space<vmem>>
    %dma_wait3A_28 = arith.constant 0 : i32
    %dma_wait3A_29 = tpu.memref_slice %arg5[%dma_wait3A_28] : memref<25600xi32, #tpu.memory_space<vmem>> -> memref<200xi32, #tpu.memory_space<vmem>>
    %dma_wait3A_30 = arith.constant 0 : i32
    %dma_wait3A_31 = arith.constant 0 : i32
    %dma_wait3A_32 = tpu.memref_slice %arg3[%dma_wait3A_30, %dma_wait3A_31] : memref<1000000x64xf32, #tpu.memory_space<hbm>> -> memref<1000000x64xf32, #tpu.memory_space<hbm>>
    tpu.wait_indirect_dma semaphore(%arg7 : memref<!tpu.dma_semaphore, #tpu.memory_space<semaphore_mem>>) src(%dma_wait3A_32 : memref<1000000x64xf32, #tpu.memory_space<hbm>>) dst(%dma_wait3A_27 : memref<200x64xf32, #tpu.memory_space<vmem>>)
    %dma_wait3A_33 = arith.constant 1 : i32
    %dma_wait3A_34 = arith.constant 0 : i32
    %dma_wait3A_35 = arith.constant 0 : i32
    %dma_wait3A_36 = tpu.memref_slice %arg6[%dma_wait3A_33, %dma_wait3A_34, %dma_wait3A_35] : memref<4x200x64xf32, #tpu.memory_space<vmem>> -> memref<1x200x64xf32, #tpu.memory_space<vmem>>
    %dma_wait3A_37 = tpu.memref_squeeze %dma_wait3A_36 : memref<1x200x64xf32, #tpu.memory_space<vmem>> -> memref<200x64xf32, #tpu.memory_space<vmem>>
    %dma_wait3A_38 = arith.constant 0 : i32
    %dma_wait3A_39 = tpu.memref_slice %arg5[%dma_wait3A_38] : memref<25600xi32, #tpu.memory_space<vmem>> -> memref<200xi32, #tpu.memory_space<vmem>>
    %dma_wait3A_40 = arith.constant 0 : i32
    %dma_wait3A_41 = arith.constant 0 : i32
    %dma_wait3A_42 = tpu.memref_slice %arg3[%dma_wait3A_40, %dma_wait3A_41] : memref<1000000x64xf32, #tpu.memory_space<hbm>> -> memref<1000000x64xf32, #tpu.memory_space<hbm>>
    tpu.wait_indirect_dma semaphore(%arg7 : memref<!tpu.dma_semaphore, #tpu.memory_space<semaphore_mem>>) src(%dma_wait3A_42 : memref<1000000x64xf32, #tpu.memory_space<hbm>>) dst(%dma_wait3A_37 : memref<200x64xf32, #tpu.memory_space<vmem>>)
    %add3A_43 = arith.constant 0 : i32
    %add3A_44 = arith.addi %mul3A_4, %add3A_43 : i32
    %dma_start3A_45 = arith.constant 0 : i32
    %dma_start3A_46 = arith.constant 0 : i32
    %dma_start3A_47 = arith.constant 0 : i32
    %dma_start3A_48 = tpu.memref_slice %arg6[%dma_start3A_45, %dma_start3A_46, %dma_start3A_47] : memref<4x200x64xf32, #tpu.memory_space<vmem>> -> memref<1x200x64xf32, #tpu.memory_space<vmem>>
    %dma_start3A_49 = tpu.memref_squeeze %dma_start3A_48 : memref<1x200x64xf32, #tpu.memory_space<vmem>> -> memref<200x64xf32, #tpu.memory_space<vmem>>
    %dma_start3A_50 = arith.constant 0 : i32
    %dma_start3A_51 = arith.constant 0 : i32
    %dma_start3A_52 = tpu.memref_slice %arg4[%add3A_44, %dma_start3A_50, %dma_start3A_51] : memref<4096x200x64xf32, #tpu.memory_space<hbm>> -> memref<1x200x64xf32, #tpu.memory_space<hbm>>
    %dma_start3A_53 = tpu.memref_squeeze %dma_start3A_52 : memref<1x200x64xf32, #tpu.memory_space<hbm>> -> memref<200x64xf32, #tpu.memory_space<hbm>>
    %dma_start3A_54 = arith.constant 0 : i32
    %dma_start3A_55 = arith.constant 0 : i32
    %dma_start3A_56 = tpu.memref_slice %arg4[%add3A_44, %dma_start3A_54, %dma_start3A_55] : memref<4096x200x64xf32, #tpu.memory_space<hbm>> -> memref<1x200x64xf32, #tpu.memory_space<hbm>>
    %dma_start3A_57 = tpu.memref_squeeze %dma_start3A_56 : memref<1x200x64xf32, #tpu.memory_space<hbm>> -> memref<200x64xf32, #tpu.memory_space<hbm>>
    %dma_start3A_58 = arith.constant 0 : i32
    %dma_start3A_59 = arith.constant 0 : i32
    %dma_start3A_60 = tpu.memref_slice %arg6[%dma_start3A_45, %dma_start3A_58, %dma_start3A_59] : memref<4x200x64xf32, #tpu.memory_space<vmem>> -> memref<1x200x64xf32, #tpu.memory_space<vmem>>
    %dma_start3A_61 = tpu.memref_squeeze %dma_start3A_60 : memref<1x200x64xf32, #tpu.memory_space<vmem>> -> memref<200x64xf32, #tpu.memory_space<vmem>>
    tpu.enqueue_dma source(%dma_start3A_61 : memref<200x64xf32, #tpu.memory_space<vmem>>) target(%dma_start3A_57 : memref<200x64xf32, #tpu.memory_space<hbm>>) target_semaphore(%arg8 : memref<!tpu.dma_semaphore, #tpu.memory_space<semaphore_mem>>)
    %add3A_62 = arith.constant 1 : i32
    %add3A_63 = arith.addi %mul3A_4, %add3A_62 : i32
    %dma_start3A_64 = arith.constant 1 : i32
    %dma_start3A_65 = arith.constant 0 : i32
    %dma_start3A_66 = arith.constant 0 : i32
    %dma_start3A_67 = tpu.memref_slice %arg6[%dma_start3A_64, %dma_start3A_65, %dma_start3A_66] : memref<4x200x64xf32, #tpu.memory_space<vmem>> -> memref<1x200x64xf32, #tpu.memory_space<vmem>>
    %dma_start3A_68 = tpu.memref_squeeze %dma_start3A_67 : memref<1x200x64xf32, #tpu.memory_space<vmem>> -> memref<200x64xf32, #tpu.memory_space<vmem>>
    %dma_start3A_69 = arith.constant 0 : i32
    %dma_start3A_70 = arith.constant 0 : i32
    %dma_start3A_71 = tpu.memref_slice %arg4[%add3A_63, %dma_start3A_69, %dma_start3A_70] : memref<4096x200x64xf32, #tpu.memory_space<hbm>> -> memref<1x200x64xf32, #tpu.memory_space<hbm>>
    %dma_start3A_72 = tpu.memref_squeeze %dma_start3A_71 : memref<1x200x64xf32, #tpu.memory_space<hbm>> -> memref<200x64xf32, #tpu.memory_space<hbm>>
    %dma_start3A_73 = arith.constant 0 : i32
    %dma_start3A_74 = arith.constant 0 : i32
    %dma_start3A_75 = tpu.memref_slice %arg4[%add3A_63, %dma_start3A_73, %dma_start3A_74] : memref<4096x200x64xf32, #tpu.memory_space<hbm>> -> memref<1x200x64xf32, #tpu.memory_space<hbm>>
    %dma_start3A_76 = tpu.memref_squeeze %dma_start3A_75 : memref<1x200x64xf32, #tpu.memory_space<hbm>> -> memref<200x64xf32, #tpu.memory_space<hbm>>
    %dma_start3A_77 = arith.constant 0 : i32
    %dma_start3A_78 = arith.constant 0 : i32
    %dma_start3A_79 = tpu.memref_slice %arg6[%dma_start3A_64, %dma_start3A_77, %dma_start3A_78] : memref<4x200x64xf32, #tpu.memory_space<vmem>> -> memref<1x200x64xf32, #tpu.memory_space<vmem>>
    %dma_start3A_80 = tpu.memref_squeeze %dma_start3A_79 : memref<1x200x64xf32, #tpu.memory_space<vmem>> -> memref<200x64xf32, #tpu.memory_space<vmem>>
    tpu.enqueue_dma source(%dma_start3A_80 : memref<200x64xf32, #tpu.memory_space<vmem>>) target(%dma_start3A_76 : memref<200x64xf32, #tpu.memory_space<hbm>>) target_semaphore(%arg8 : memref<!tpu.dma_semaphore, #tpu.memory_space<semaphore_mem>>)
    %dma_start3A_81 = arith.constant 2 : i32
    %dma_start3A_82 = arith.constant 0 : i32
    %dma_start3A_83 = arith.constant 0 : i32
    %dma_start3A_84 = tpu.memref_slice %arg6[%dma_start3A_81, %dma_start3A_82, %dma_start3A_83] : memref<4x200x64xf32, #tpu.memory_space<vmem>> -> memref<1x200x64xf32, #tpu.memory_space<vmem>>
    %dma_start3A_85 = tpu.memref_squeeze %dma_start3A_84 : memref<1x200x64xf32, #tpu.memory_space<vmem>> -> memref<200x64xf32, #tpu.memory_space<vmem>>
    %dma_start3A_86 = arith.constant 400 : i32
    %dma_start3A_87 = tpu.memref_slice %arg5[%dma_start3A_86] : memref<25600xi32, #tpu.memory_space<vmem>> -> memref<200xi32, #tpu.memory_space<vmem>>
    %dma_start3A_88 = arith.constant 0 : i32
    %dma_start3A_89 = arith.constant 0 : i32
    %dma_start3A_90 = tpu.memref_slice %arg3[%dma_start3A_88, %dma_start3A_89] : memref<1000000x64xf32, #tpu.memory_space<hbm>> -> memref<1000000x64xf32, #tpu.memory_space<hbm>>
    tpu.enqueue_indirect_dma source(%dma_start3A_90 : memref<1000000x64xf32, #tpu.memory_space<hbm>>) target(%dma_start3A_85 : memref<200x64xf32, #tpu.memory_space<vmem>>) offsets(%dma_start3A_87 : memref<200xi32, #tpu.memory_space<vmem>>) semaphore(%arg7 : memref<!tpu.dma_semaphore, #tpu.memory_space<semaphore_mem>>)
    %dma_start3A_91 = arith.constant 3 : i32
    %dma_start3A_92 = arith.constant 0 : i32
    %dma_start3A_93 = arith.constant 0 : i32
    %dma_start3A_94 = tpu.memref_slice %arg6[%dma_start3A_91, %dma_start3A_92, %dma_start3A_93] : memref<4x200x64xf32, #tpu.memory_space<vmem>> -> memref<1x200x64xf32, #tpu.memory_space<vmem>>
    %dma_start3A_95 = tpu.memref_squeeze %dma_start3A_94 : memref<1x200x64xf32, #tpu.memory_space<vmem>> -> memref<200x64xf32, #tpu.memory_space<vmem>>
    %dma_start3A_96 = arith.constant 600 : i32
    %dma_start3A_97 = tpu.memref_slice %arg5[%dma_start3A_96] : memref<25600xi32, #tpu.memory_space<vmem>> -> memref<200xi32, #tpu.memory_space<vmem>>
    %dma_start3A_98 = arith.constant 0 : i32
    %dma_start3A_99 = arith.constant 0 : i32
    %dma_start3A_100 = tpu.memref_slice %arg3[%dma_start3A_98, %dma_start3A_99] : memref<1000000x64xf32, #tpu.memory_space<hbm>> -> memref<1000000x64xf32, #tpu.memory_space<hbm>>
    tpu.enqueue_indirect_dma source(%dma_start3A_100 : memref<1000000x64xf32, #tpu.memory_space<hbm>>) target(%dma_start3A_95 : memref<200x64xf32, #tpu.memory_space<vmem>>) offsets(%dma_start3A_97 : memref<200xi32, #tpu.memory_space<vmem>>) semaphore(%arg7 : memref<!tpu.dma_semaphore, #tpu.memory_space<semaphore_mem>>)
    %scan3A = arith.constant 0 : i32
    %scan3A_101 = arith.constant 0 : i32
    %scan3A_102 = arith.constant 31 : i32
    %scan3A_103 = arith.addi %scan3A_101, %scan3A_102 : i32
    %scan3A_104 = arith.constant 1 : i32
    scf.for %scan3A_232 = %scan3A_101 to %scan3A_103 step %scan3A_104  : i32 {
      %mul3A_233 = arith.constant 2 : i32
      %mul3A_234 = arith.muli %mul3A_233, %scan3A_232 : i32
      %add3A_235 = arith.constant 1 : i32
      %add3A_236 = arith.addi %mul3A_234, %add3A_235 : i32
      %dma_wait3A_237 = arith.constant 2 : i32
      %dma_wait3A_238 = arith.constant 0 : i32
      %dma_wait3A_239 = arith.constant 0 : i32
      %dma_wait3A_240 = tpu.memref_slice %arg6[%dma_wait3A_237, %dma_wait3A_238, %dma_wait3A_239] : memref<4x200x64xf32, #tpu.memory_space<vmem>> -> memref<1x200x64xf32, #tpu.memory_space<vmem>>
      %dma_wait3A_241 = tpu.memref_squeeze %dma_wait3A_240 : memref<1x200x64xf32, #tpu.memory_space<vmem>> -> memref<200x64xf32, #tpu.memory_space<vmem>>
      %dma_wait3A_242 = arith.constant 0 : i32
      %dma_wait3A_243 = tpu.memref_slice %arg5[%dma_wait3A_242] : memref<25600xi32, #tpu.memory_space<vmem>> -> memref<200xi32, #tpu.memory_space<vmem>>
      %dma_wait3A_244 = arith.constant 0 : i32
      %dma_wait3A_245 = arith.constant 0 : i32
      %dma_wait3A_246 = tpu.memref_slice %arg3[%dma_wait3A_244, %dma_wait3A_245] : memref<1000000x64xf32, #tpu.memory_space<hbm>> -> memref<1000000x64xf32, #tpu.memory_space<hbm>>
      tpu.wait_indirect_dma semaphore(%arg7 : memref<!tpu.dma_semaphore, #tpu.memory_space<semaphore_mem>>) src(%dma_wait3A_246 : memref<1000000x64xf32, #tpu.memory_space<hbm>>) dst(%dma_wait3A_241 : memref<200x64xf32, #tpu.memory_space<vmem>>)
      %dma_wait3A_247 = arith.constant 3 : i32
      %dma_wait3A_248 = arith.constant 0 : i32
      %dma_wait3A_249 = arith.constant 0 : i32
      %dma_wait3A_250 = tpu.memref_slice %arg6[%dma_wait3A_247, %dma_wait3A_248, %dma_wait3A_249] : memref<4x200x64xf32, #tpu.memory_space<vmem>> -> memref<1x200x64xf32, #tpu.memory_space<vmem>>
      %dma_wait3A_251 = tpu.memref_squeeze %dma_wait3A_250 : memref<1x200x64xf32, #tpu.memory_space<vmem>> -> memref<200x64xf32, #tpu.memory_space<vmem>>
      %dma_wait3A_252 = arith.constant 0 : i32
      %dma_wait3A_253 = tpu.memref_slice %arg5[%dma_wait3A_252] : memref<25600xi32, #tpu.memory_space<vmem>> -> memref<200xi32, #tpu.memory_space<vmem>>
      %dma_wait3A_254 = arith.constant 0 : i32
      %dma_wait3A_255 = arith.constant 0 : i32
      %dma_wait3A_256 = tpu.memref_slice %arg3[%dma_wait3A_254, %dma_wait3A_255] : memref<1000000x64xf32, #tpu.memory_space<hbm>> -> memref<1000000x64xf32, #tpu.memory_space<hbm>>
      tpu.wait_indirect_dma semaphore(%arg7 : memref<!tpu.dma_semaphore, #tpu.memory_space<semaphore_mem>>) src(%dma_wait3A_256 : memref<1000000x64xf32, #tpu.memory_space<hbm>>) dst(%dma_wait3A_251 : memref<200x64xf32, #tpu.memory_space<vmem>>)
      %dma_wait3A_257 = arith.constant 0 : i32
      %dma_wait3A_258 = arith.constant 0 : i32
      %dma_wait3A_259 = arith.constant 0 : i32
      %dma_wait3A_260 = tpu.memref_slice %arg6[%dma_wait3A_257, %dma_wait3A_258, %dma_wait3A_259] : memref<4x200x64xf32, #tpu.memory_space<vmem>> -> memref<1x200x64xf32, #tpu.memory_space<vmem>>
      %dma_wait3A_261 = tpu.memref_squeeze %dma_wait3A_260 : memref<1x200x64xf32, #tpu.memory_space<vmem>> -> memref<200x64xf32, #tpu.memory_space<vmem>>
      %dma_wait3A_262 = arith.constant 0 : i32
      %dma_wait3A_263 = arith.constant 0 : i32
      %dma_wait3A_264 = tpu.memref_slice %arg4[%mul3A_4, %dma_wait3A_262, %dma_wait3A_263] : memref<4096x200x64xf32, #tpu.memory_space<hbm>> -> memref<1x200x64xf32, #tpu.memory_space<hbm>>
      %dma_wait3A_265 = tpu.memref_squeeze %dma_wait3A_264 : memref<1x200x64xf32, #tpu.memory_space<hbm>> -> memref<200x64xf32, #tpu.memory_space<hbm>>
      %dma_wait3A_266 = arith.constant 0 : i32
      %dma_wait3A_267 = arith.constant 0 : i32
      %dma_wait3A_268 = tpu.memref_slice %arg4[%mul3A_4, %dma_wait3A_266, %dma_wait3A_267] : memref<4096x200x64xf32, #tpu.memory_space<hbm>> -> memref<1x200x64xf32, #tpu.memory_space<hbm>>
      %dma_wait3A_269 = tpu.memref_squeeze %dma_wait3A_268 : memref<1x200x64xf32, #tpu.memory_space<hbm>> -> memref<200x64xf32, #tpu.memory_space<hbm>>
      %dma_wait3A_270 = arith.constant 0 : i32
      %dma_wait3A_271 = arith.constant 0 : i32
      %dma_wait3A_272 = tpu.memref_slice %arg6[%dma_wait3A_257, %dma_wait3A_270, %dma_wait3A_271] : memref<4x200x64xf32, #tpu.memory_space<vmem>> -> memref<1x200x64xf32, #tpu.memory_space<vmem>>
      %dma_wait3A_273 = tpu.memref_squeeze %dma_wait3A_272 : memref<1x200x64xf32, #tpu.memory_space<vmem>> -> memref<200x64xf32, #tpu.memory_space<vmem>>
      tpu.wait_dma2 semaphore(%arg8 : memref<!tpu.dma_semaphore, #tpu.memory_space<semaphore_mem>>) src(%dma_wait3A_273 : memref<200x64xf32, #tpu.memory_space<vmem>>) dst(%dma_wait3A_269 : memref<200x64xf32, #tpu.memory_space<hbm>>)
      %dma_wait3A_274 = arith.constant 1 : i32
      %dma_wait3A_275 = arith.constant 0 : i32
      %dma_wait3A_276 = arith.constant 0 : i32
      %dma_wait3A_277 = tpu.memref_slice %arg6[%dma_wait3A_274, %dma_wait3A_275, %dma_wait3A_276] : memref<4x200x64xf32, #tpu.memory_space<vmem>> -> memref<1x200x64xf32, #tpu.memory_space<vmem>>
      %dma_wait3A_278 = tpu.memref_squeeze %dma_wait3A_277 : memref<1x200x64xf32, #tpu.memory_space<vmem>> -> memref<200x64xf32, #tpu.memory_space<vmem>>
      %dma_wait3A_279 = arith.constant 0 : i32
      %dma_wait3A_280 = arith.constant 0 : i32
      %dma_wait3A_281 = tpu.memref_slice %arg4[%mul3A_4, %dma_wait3A_279, %dma_wait3A_280] : memref<4096x200x64xf32, #tpu.memory_space<hbm>> -> memref<1x200x64xf32, #tpu.memory_space<hbm>>
      %dma_wait3A_282 = tpu.memref_squeeze %dma_wait3A_281 : memref<1x200x64xf32, #tpu.memory_space<hbm>> -> memref<200x64xf32, #tpu.memory_space<hbm>>
      %dma_wait3A_283 = arith.constant 0 : i32
      %dma_wait3A_284 = arith.constant 0 : i32
      %dma_wait3A_285 = tpu.memref_slice %arg4[%mul3A_4, %dma_wait3A_283, %dma_wait3A_284] : memref<4096x200x64xf32, #tpu.memory_space<hbm>> -> memref<1x200x64xf32, #tpu.memory_space<hbm>>
      %dma_wait3A_286 = tpu.memref_squeeze %dma_wait3A_285 : memref<1x200x64xf32, #tpu.memory_space<hbm>> -> memref<200x64xf32, #tpu.memory_space<hbm>>
      %dma_wait3A_287 = arith.constant 0 : i32
      %dma_wait3A_288 = arith.constant 0 : i32
      %dma_wait3A_289 = tpu.memref_slice %arg6[%dma_wait3A_274, %dma_wait3A_287, %dma_wait3A_288] : memref<4x200x64xf32, #tpu.memory_space<vmem>> -> memref<1x200x64xf32, #tpu.memory_space<vmem>>
      %dma_wait3A_290 = tpu.memref_squeeze %dma_wait3A_289 : memref<1x200x64xf32, #tpu.memory_space<vmem>> -> memref<200x64xf32, #tpu.memory_space<vmem>>
      tpu.wait_dma2 semaphore(%arg8 : memref<!tpu.dma_semaphore, #tpu.memory_space<semaphore_mem>>) src(%dma_wait3A_290 : memref<200x64xf32, #tpu.memory_space<vmem>>) dst(%dma_wait3A_286 : memref<200x64xf32, #tpu.memory_space<hbm>>)
      %mul3A_291 = arith.constant 2 : i32
      %mul3A_292 = arith.muli %add3A_236, %mul3A_291 : i32
      %add3A_293 = arith.constant 0 : i32
      %add3A_294 = arith.addi %mul3A_292, %add3A_293 : i32
      %add3A_295 = arith.addi %mul3A_4, %add3A_294 : i32
      %dma_start3A_296 = arith.constant 2 : i32
      %dma_start3A_297 = arith.constant 0 : i32
      %dma_start3A_298 = arith.constant 0 : i32
      %dma_start3A_299 = tpu.memref_slice %arg6[%dma_start3A_296, %dma_start3A_297, %dma_start3A_298] : memref<4x200x64xf32, #tpu.memory_space<vmem>> -> memref<1x200x64xf32, #tpu.memory_space<vmem>>
      %dma_start3A_300 = tpu.memref_squeeze %dma_start3A_299 : memref<1x200x64xf32, #tpu.memory_space<vmem>> -> memref<200x64xf32, #tpu.memory_space<vmem>>
      %dma_start3A_301 = arith.constant 0 : i32
      %dma_start3A_302 = arith.constant 0 : i32
      %dma_start3A_303 = tpu.memref_slice %arg4[%add3A_295, %dma_start3A_301, %dma_start3A_302] : memref<4096x200x64xf32, #tpu.memory_space<hbm>> -> memref<1x200x64xf32, #tpu.memory_space<hbm>>
      %dma_start3A_304 = tpu.memref_squeeze %dma_start3A_303 : memref<1x200x64xf32, #tpu.memory_space<hbm>> -> memref<200x64xf32, #tpu.memory_space<hbm>>
      %dma_start3A_305 = arith.constant 0 : i32
      %dma_start3A_306 = arith.constant 0 : i32
      %dma_start3A_307 = tpu.memref_slice %arg4[%add3A_295, %dma_start3A_305, %dma_start3A_306] : memref<4096x200x64xf32, #tpu.memory_space<hbm>> -> memref<1x200x64xf32, #tpu.memory_space<hbm>>
      %dma_start3A_308 = tpu.memref_squeeze %dma_start3A_307 : memref<1x200x64xf32, #tpu.memory_space<hbm>> -> memref<200x64xf32, #tpu.memory_space<hbm>>
      %dma_start3A_309 = arith.constant 0 : i32
      %dma_start3A_310 = arith.constant 0 : i32
      %dma_start3A_311 = tpu.memref_slice %arg6[%dma_start3A_296, %dma_start3A_309, %dma_start3A_310] : memref<4x200x64xf32, #tpu.memory_space<vmem>> -> memref<1x200x64xf32, #tpu.memory_space<vmem>>
      %dma_start3A_312 = tpu.memref_squeeze %dma_start3A_311 : memref<1x200x64xf32, #tpu.memory_space<vmem>> -> memref<200x64xf32, #tpu.memory_space<vmem>>
      tpu.enqueue_dma source(%dma_start3A_312 : memref<200x64xf32, #tpu.memory_space<vmem>>) target(%dma_start3A_308 : memref<200x64xf32, #tpu.memory_space<hbm>>) target_semaphore(%arg8 : memref<!tpu.dma_semaphore, #tpu.memory_space<semaphore_mem>>)
      %mul3A_313 = arith.constant 2 : i32
      %mul3A_314 = arith.muli %add3A_236, %mul3A_313 : i32
      %add3A_315 = arith.constant 1 : i32
      %add3A_316 = arith.addi %mul3A_314, %add3A_315 : i32
      %add3A_317 = arith.addi %mul3A_4, %add3A_316 : i32
      %dma_start3A_318 = arith.constant 3 : i32
      %dma_start3A_319 = arith.constant 0 : i32
      %dma_start3A_320 = arith.constant 0 : i32
      %dma_start3A_321 = tpu.memref_slice %arg6[%dma_start3A_318, %dma_start3A_319, %dma_start3A_320] : memref<4x200x64xf32, #tpu.memory_space<vmem>> -> memref<1x200x64xf32, #tpu.memory_space<vmem>>
      %dma_start3A_322 = tpu.memref_squeeze %dma_start3A_321 : memref<1x200x64xf32, #tpu.memory_space<vmem>> -> memref<200x64xf32, #tpu.memory_space<vmem>>
      %dma_start3A_323 = arith.constant 0 : i32
      %dma_start3A_324 = arith.constant 0 : i32
      %dma_start3A_325 = tpu.memref_slice %arg4[%add3A_317, %dma_start3A_323, %dma_start3A_324] : memref<4096x200x64xf32, #tpu.memory_space<hbm>> -> memref<1x200x64xf32, #tpu.memory_space<hbm>>
      %dma_start3A_326 = tpu.memref_squeeze %dma_start3A_325 : memref<1x200x64xf32, #tpu.memory_space<hbm>> -> memref<200x64xf32, #tpu.memory_space<hbm>>
      %dma_start3A_327 = arith.constant 0 : i32
      %dma_start3A_328 = arith.constant 0 : i32
      %dma_start3A_329 = tpu.memref_slice %arg4[%add3A_317, %dma_start3A_327, %dma_start3A_328] : memref<4096x200x64xf32, #tpu.memory_space<hbm>> -> memref<1x200x64xf32, #tpu.memory_space<hbm>>
      %dma_start3A_330 = tpu.memref_squeeze %dma_start3A_329 : memref<1x200x64xf32, #tpu.memory_space<hbm>> -> memref<200x64xf32, #tpu.memory_space<hbm>>
      %dma_start3A_331 = arith.constant 0 : i32
      %dma_start3A_332 = arith.constant 0 : i32
      %dma_start3A_333 = tpu.memref_slice %arg6[%dma_start3A_318, %dma_start3A_331, %dma_start3A_332] : memref<4x200x64xf32, #tpu.memory_space<vmem>> -> memref<1x200x64xf32, #tpu.memory_space<vmem>>
      %dma_start3A_334 = tpu.memref_squeeze %dma_start3A_333 : memref<1x200x64xf32, #tpu.memory_space<vmem>> -> memref<200x64xf32, #tpu.memory_space<vmem>>
      tpu.enqueue_dma source(%dma_start3A_334 : memref<200x64xf32, #tpu.memory_space<vmem>>) target(%dma_start3A_330 : memref<200x64xf32, #tpu.memory_space<hbm>>) target_semaphore(%arg8 : memref<!tpu.dma_semaphore, #tpu.memory_space<semaphore_mem>>)
      %add3A_335 = arith.constant 1 : i32
      %add3A_336 = arith.addi %add3A_236, %add3A_335 : i32
      %mul3A_337 = arith.constant 2 : i32
      %mul3A_338 = arith.muli %add3A_336, %mul3A_337 : i32
      %add3A_339 = arith.constant 0 : i32
      %add3A_340 = arith.addi %mul3A_338, %add3A_339 : i32
      %mul3A_341 = arith.constant 200 : i32
      %mul3A_342 = arith.muli %add3A_340, %mul3A_341 : i32
      %dma_start3A_343 = arith.constant 0 : i32
      %dma_start3A_344 = arith.constant 0 : i32
      %dma_start3A_345 = arith.constant 0 : i32
      %dma_start3A_346 = tpu.memref_slice %arg6[%dma_start3A_343, %dma_start3A_344, %dma_start3A_345] : memref<4x200x64xf32, #tpu.memory_space<vmem>> -> memref<1x200x64xf32, #tpu.memory_space<vmem>>
      %dma_start3A_347 = tpu.memref_squeeze %dma_start3A_346 : memref<1x200x64xf32, #tpu.memory_space<vmem>> -> memref<200x64xf32, #tpu.memory_space<vmem>>
      %dma_start3A_348 = tpu.memref_slice %arg5[%mul3A_342] : memref<25600xi32, #tpu.memory_space<vmem>> -> memref<200xi32, #tpu.memory_space<vmem>>
      %dma_start3A_349 = arith.constant 0 : i32
      %dma_start3A_350 = arith.constant 0 : i32
      %dma_start3A_351 = tpu.memref_slice %arg3[%dma_start3A_349, %dma_start3A_350] : memref<1000000x64xf32, #tpu.memory_space<hbm>> -> memref<1000000x64xf32, #tpu.memory_space<hbm>>
      tpu.enqueue_indirect_dma source(%dma_start3A_351 : memref<1000000x64xf32, #tpu.memory_space<hbm>>) target(%dma_start3A_347 : memref<200x64xf32, #tpu.memory_space<vmem>>) offsets(%dma_start3A_348 : memref<200xi32, #tpu.memory_space<vmem>>) semaphore(%arg7 : memref<!tpu.dma_semaphore, #tpu.memory_space<semaphore_mem>>)
      %mul3A_352 = arith.constant 2 : i32
      %mul3A_353 = arith.muli %add3A_336, %mul3A_352 : i32
      %add3A_354 = arith.constant 1 : i32
      %add3A_355 = arith.addi %mul3A_353, %add3A_354 : i32
      %mul3A_356 = arith.constant 200 : i32
      %mul3A_357 = arith.muli %add3A_355, %mul3A_356 : i32
      %dma_start3A_358 = arith.constant 1 : i32
      %dma_start3A_359 = arith.constant 0 : i32
      %dma_start3A_360 = arith.constant 0 : i32
      %dma_start3A_361 = tpu.memref_slice %arg6[%dma_start3A_358, %dma_start3A_359, %dma_start3A_360] : memref<4x200x64xf32, #tpu.memory_space<vmem>> -> memref<1x200x64xf32, #tpu.memory_space<vmem>>
      %dma_start3A_362 = tpu.memref_squeeze %dma_start3A_361 : memref<1x200x64xf32, #tpu.memory_space<vmem>> -> memref<200x64xf32, #tpu.memory_space<vmem>>
      %dma_start3A_363 = tpu.memref_slice %arg5[%mul3A_357] : memref<25600xi32, #tpu.memory_space<vmem>> -> memref<200xi32, #tpu.memory_space<vmem>>
      %dma_start3A_364 = arith.constant 0 : i32
      %dma_start3A_365 = arith.constant 0 : i32
      %dma_start3A_366 = tpu.memref_slice %arg3[%dma_start3A_364, %dma_start3A_365] : memref<1000000x64xf32, #tpu.memory_space<hbm>> -> memref<1000000x64xf32, #tpu.memory_space<hbm>>
      tpu.enqueue_indirect_dma source(%dma_start3A_366 : memref<1000000x64xf32, #tpu.memory_space<hbm>>) target(%dma_start3A_362 : memref<200x64xf32, #tpu.memory_space<vmem>>) offsets(%dma_start3A_363 : memref<200xi32, #tpu.memory_space<vmem>>) semaphore(%arg7 : memref<!tpu.dma_semaphore, #tpu.memory_space<semaphore_mem>>)
      %add3A_367 = arith.constant 1 : i32
      %add3A_368 = arith.addi %add3A_236, %add3A_367 : i32
      %dma_wait3A_369 = arith.constant 0 : i32
      %dma_wait3A_370 = arith.constant 0 : i32
      %dma_wait3A_371 = arith.constant 0 : i32
      %dma_wait3A_372 = tpu.memref_slice %arg6[%dma_wait3A_369, %dma_wait3A_370, %dma_wait3A_371] : memref<4x200x64xf32, #tpu.memory_space<vmem>> -> memref<1x200x64xf32, #tpu.memory_space<vmem>>
      %dma_wait3A_373 = tpu.memref_squeeze %dma_wait3A_372 : memref<1x200x64xf32, #tpu.memory_space<vmem>> -> memref<200x64xf32, #tpu.memory_space<vmem>>
      %dma_wait3A_374 = arith.constant 0 : i32
      %dma_wait3A_375 = tpu.memref_slice %arg5[%dma_wait3A_374] : memref<25600xi32, #tpu.memory_space<vmem>> -> memref<200xi32, #tpu.memory_space<vmem>>
      %dma_wait3A_376 = arith.constant 0 : i32
      %dma_wait3A_377 = arith.constant 0 : i32
      %dma_wait3A_378 = tpu.memref_slice %arg3[%dma_wait3A_376, %dma_wait3A_377] : memref<1000000x64xf32, #tpu.memory_space<hbm>> -> memref<1000000x64xf32, #tpu.memory_space<hbm>>
      tpu.wait_indirect_dma semaphore(%arg7 : memref<!tpu.dma_semaphore, #tpu.memory_space<semaphore_mem>>) src(%dma_wait3A_378 : memref<1000000x64xf32, #tpu.memory_space<hbm>>) dst(%dma_wait3A_373 : memref<200x64xf32, #tpu.memory_space<vmem>>)
      %dma_wait3A_379 = arith.constant 1 : i32
      %dma_wait3A_380 = arith.constant 0 : i32
      %dma_wait3A_381 = arith.constant 0 : i32
      %dma_wait3A_382 = tpu.memref_slice %arg6[%dma_wait3A_379, %dma_wait3A_380, %dma_wait3A_381] : memref<4x200x64xf32, #tpu.memory_space<vmem>> -> memref<1x200x64xf32, #tpu.memory_space<vmem>>
      %dma_wait3A_383 = tpu.memref_squeeze %dma_wait3A_382 : memref<1x200x64xf32, #tpu.memory_space<vmem>> -> memref<200x64xf32, #tpu.memory_space<vmem>>
      %dma_wait3A_384 = arith.constant 0 : i32
      %dma_wait3A_385 = tpu.memref_slice %arg5[%dma_wait3A_384] : memref<25600xi32, #tpu.memory_space<vmem>> -> memref<200xi32, #tpu.memory_space<vmem>>
      %dma_wait3A_386 = arith.constant 0 : i32
      %dma_wait3A_387 = arith.constant 0 : i32
      %dma_wait3A_388 = tpu.memref_slice %arg3[%dma_wait3A_386, %dma_wait3A_387] : memref<1000000x64xf32, #tpu.memory_space<hbm>> -> memref<1000000x64xf32, #tpu.memory_space<hbm>>
      tpu.wait_indirect_dma semaphore(%arg7 : memref<!tpu.dma_semaphore, #tpu.memory_space<semaphore_mem>>) src(%dma_wait3A_388 : memref<1000000x64xf32, #tpu.memory_space<hbm>>) dst(%dma_wait3A_383 : memref<200x64xf32, #tpu.memory_space<vmem>>)
      %dma_wait3A_389 = arith.constant 2 : i32
      %dma_wait3A_390 = arith.constant 0 : i32
      %dma_wait3A_391 = arith.constant 0 : i32
      %dma_wait3A_392 = tpu.memref_slice %arg6[%dma_wait3A_389, %dma_wait3A_390, %dma_wait3A_391] : memref<4x200x64xf32, #tpu.memory_space<vmem>> -> memref<1x200x64xf32, #tpu.memory_space<vmem>>
      %dma_wait3A_393 = tpu.memref_squeeze %dma_wait3A_392 : memref<1x200x64xf32, #tpu.memory_space<vmem>> -> memref<200x64xf32, #tpu.memory_space<vmem>>
      %dma_wait3A_394 = arith.constant 0 : i32
      %dma_wait3A_395 = arith.constant 0 : i32
      %dma_wait3A_396 = tpu.memref_slice %arg4[%mul3A_4, %dma_wait3A_394, %dma_wait3A_395] : memref<4096x200x64xf32, #tpu.memory_space<hbm>> -> memref<1x200x64xf32, #tpu.memory_space<hbm>>
      %dma_wait3A_397 = tpu.memref_squeeze %dma_wait3A_396 : memref<1x200x64xf32, #tpu.memory_space<hbm>> -> memref<200x64xf32, #tpu.memory_space<hbm>>
      %dma_wait3A_398 = arith.constant 0 : i32
      %dma_wait3A_399 = arith.constant 0 : i32
      %dma_wait3A_400 = tpu.memref_slice %arg4[%mul3A_4, %dma_wait3A_398, %dma_wait3A_399] : memref<4096x200x64xf32, #tpu.memory_space<hbm>> -> memref<1x200x64xf32, #tpu.memory_space<hbm>>
      %dma_wait3A_401 = tpu.memref_squeeze %dma_wait3A_400 : memref<1x200x64xf32, #tpu.memory_space<hbm>> -> memref<200x64xf32, #tpu.memory_space<hbm>>
      %dma_wait3A_402 = arith.constant 0 : i32
      %dma_wait3A_403 = arith.constant 0 : i32
      %dma_wait3A_404 = tpu.memref_slice %arg6[%dma_wait3A_389, %dma_wait3A_402, %dma_wait3A_403] : memref<4x200x64xf32, #tpu.memory_space<vmem>> -> memref<1x200x64xf32, #tpu.memory_space<vmem>>
      %dma_wait3A_405 = tpu.memref_squeeze %dma_wait3A_404 : memref<1x200x64xf32, #tpu.memory_space<vmem>> -> memref<200x64xf32, #tpu.memory_space<vmem>>
      tpu.wait_dma2 semaphore(%arg8 : memref<!tpu.dma_semaphore, #tpu.memory_space<semaphore_mem>>) src(%dma_wait3A_405 : memref<200x64xf32, #tpu.memory_space<vmem>>) dst(%dma_wait3A_401 : memref<200x64xf32, #tpu.memory_space<hbm>>)
      %dma_wait3A_406 = arith.constant 3 : i32
      %dma_wait3A_407 = arith.constant 0 : i32
      %dma_wait3A_408 = arith.constant 0 : i32
      %dma_wait3A_409 = tpu.memref_slice %arg6[%dma_wait3A_406, %dma_wait3A_407, %dma_wait3A_408] : memref<4x200x64xf32, #tpu.memory_space<vmem>> -> memref<1x200x64xf32, #tpu.memory_space<vmem>>
      %dma_wait3A_410 = tpu.memref_squeeze %dma_wait3A_409 : memref<1x200x64xf32, #tpu.memory_space<vmem>> -> memref<200x64xf32, #tpu.memory_space<vmem>>
      %dma_wait3A_411 = arith.constant 0 : i32
      %dma_wait3A_412 = arith.constant 0 : i32
      %dma_wait3A_413 = tpu.memref_slice %arg4[%mul3A_4, %dma_wait3A_411, %dma_wait3A_412] : memref<4096x200x64xf32, #tpu.memory_space<hbm>> -> memref<1x200x64xf32, #tpu.memory_space<hbm>>
      %dma_wait3A_414 = tpu.memref_squeeze %dma_wait3A_413 : memref<1x200x64xf32, #tpu.memory_space<hbm>> -> memref<200x64xf32, #tpu.memory_space<hbm>>
      %dma_wait3A_415 = arith.constant 0 : i32
      %dma_wait3A_416 = arith.constant 0 : i32
      %dma_wait3A_417 = tpu.memref_slice %arg4[%mul3A_4, %dma_wait3A_415, %dma_wait3A_416] : memref<4096x200x64xf32, #tpu.memory_space<hbm>> -> memref<1x200x64xf32, #tpu.memory_space<hbm>>
      %dma_wait3A_418 = tpu.memref_squeeze %dma_wait3A_417 : memref<1x200x64xf32, #tpu.memory_space<hbm>> -> memref<200x64xf32, #tpu.memory_space<hbm>>
      %dma_wait3A_419 = arith.constant 0 : i32
      %dma_wait3A_420 = arith.constant 0 : i32
      %dma_wait3A_421 = tpu.memref_slice %arg6[%dma_wait3A_406, %dma_wait3A_419, %dma_wait3A_420] : memref<4x200x64xf32, #tpu.memory_space<vmem>> -> memref<1x200x64xf32, #tpu.memory_space<vmem>>
      %dma_wait3A_422 = tpu.memref_squeeze %dma_wait3A_421 : memref<1x200x64xf32, #tpu.memory_space<vmem>> -> memref<200x64xf32, #tpu.memory_space<vmem>>
      tpu.wait_dma2 semaphore(%arg8 : memref<!tpu.dma_semaphore, #tpu.memory_space<semaphore_mem>>) src(%dma_wait3A_422 : memref<200x64xf32, #tpu.memory_space<vmem>>) dst(%dma_wait3A_418 : memref<200x64xf32, #tpu.memory_space<hbm>>)
      %mul3A_423 = arith.constant 2 : i32
      %mul3A_424 = arith.muli %add3A_368, %mul3A_423 : i32
      %add3A_425 = arith.constant 0 : i32
      %add3A_426 = arith.addi %mul3A_424, %add3A_425 : i32
      %add3A_427 = arith.addi %mul3A_4, %add3A_426 : i32
      %dma_start3A_428 = arith.constant 0 : i32
      %dma_start3A_429 = arith.constant 0 : i32
      %dma_start3A_430 = arith.constant 0 : i32
      %dma_start3A_431 = tpu.memref_slice %arg6[%dma_start3A_428, %dma_start3A_429, %dma_start3A_430] : memref<4x200x64xf32, #tpu.memory_space<vmem>> -> memref<1x200x64xf32, #tpu.memory_space<vmem>>
      %dma_start3A_432 = tpu.memref_squeeze %dma_start3A_431 : memref<1x200x64xf32, #tpu.memory_space<vmem>> -> memref<200x64xf32, #tpu.memory_space<vmem>>
      %dma_start3A_433 = arith.constant 0 : i32
      %dma_start3A_434 = arith.constant 0 : i32
      %dma_start3A_435 = tpu.memref_slice %arg4[%add3A_427, %dma_start3A_433, %dma_start3A_434] : memref<4096x200x64xf32, #tpu.memory_space<hbm>> -> memref<1x200x64xf32, #tpu.memory_space<hbm>>
      %dma_start3A_436 = tpu.memref_squeeze %dma_start3A_435 : memref<1x200x64xf32, #tpu.memory_space<hbm>> -> memref<200x64xf32, #tpu.memory_space<hbm>>
      %dma_start3A_437 = arith.constant 0 : i32
      %dma_start3A_438 = arith.constant 0 : i32
      %dma_start3A_439 = tpu.memref_slice %arg4[%add3A_427, %dma_start3A_437, %dma_start3A_438] : memref<4096x200x64xf32, #tpu.memory_space<hbm>> -> memref<1x200x64xf32, #tpu.memory_space<hbm>>
      %dma_start3A_440 = tpu.memref_squeeze %dma_start3A_439 : memref<1x200x64xf32, #tpu.memory_space<hbm>> -> memref<200x64xf32, #tpu.memory_space<hbm>>
      %dma_start3A_441 = arith.constant 0 : i32
      %dma_start3A_442 = arith.constant 0 : i32
      %dma_start3A_443 = tpu.memref_slice %arg6[%dma_start3A_428, %dma_start3A_441, %dma_start3A_442] : memref<4x200x64xf32, #tpu.memory_space<vmem>> -> memref<1x200x64xf32, #tpu.memory_space<vmem>>
      %dma_start3A_444 = tpu.memref_squeeze %dma_start3A_443 : memref<1x200x64xf32, #tpu.memory_space<vmem>> -> memref<200x64xf32, #tpu.memory_space<vmem>>
      tpu.enqueue_dma source(%dma_start3A_444 : memref<200x64xf32, #tpu.memory_space<vmem>>) target(%dma_start3A_440 : memref<200x64xf32, #tpu.memory_space<hbm>>) target_semaphore(%arg8 : memref<!tpu.dma_semaphore, #tpu.memory_space<semaphore_mem>>)
      %mul3A_445 = arith.constant 2 : i32
      %mul3A_446 = arith.muli %add3A_368, %mul3A_445 : i32
      %add3A_447 = arith.constant 1 : i32
      %add3A_448 = arith.addi %mul3A_446, %add3A_447 : i32
      %add3A_449 = arith.addi %mul3A_4, %add3A_448 : i32
      %dma_start3A_450 = arith.constant 1 : i32
      %dma_start3A_451 = arith.constant 0 : i32
      %dma_start3A_452 = arith.constant 0 : i32
      %dma_start3A_453 = tpu.memref_slice %arg6[%dma_start3A_450, %dma_start3A_451, %dma_start3A_452] : memref<4x200x64xf32, #tpu.memory_space<vmem>> -> memref<1x200x64xf32, #tpu.memory_space<vmem>>
      %dma_start3A_454 = tpu.memref_squeeze %dma_start3A_453 : memref<1x200x64xf32, #tpu.memory_space<vmem>> -> memref<200x64xf32, #tpu.memory_space<vmem>>
      %dma_start3A_455 = arith.constant 0 : i32
      %dma_start3A_456 = arith.constant 0 : i32
      %dma_start3A_457 = tpu.memref_slice %arg4[%add3A_449, %dma_start3A_455, %dma_start3A_456] : memref<4096x200x64xf32, #tpu.memory_space<hbm>> -> memref<1x200x64xf32, #tpu.memory_space<hbm>>
      %dma_start3A_458 = tpu.memref_squeeze %dma_start3A_457 : memref<1x200x64xf32, #tpu.memory_space<hbm>> -> memref<200x64xf32, #tpu.memory_space<hbm>>
      %dma_start3A_459 = arith.constant 0 : i32
      %dma_start3A_460 = arith.constant 0 : i32
      %dma_start3A_461 = tpu.memref_slice %arg4[%add3A_449, %dma_start3A_459, %dma_start3A_460] : memref<4096x200x64xf32, #tpu.memory_space<hbm>> -> memref<1x200x64xf32, #tpu.memory_space<hbm>>
      %dma_start3A_462 = tpu.memref_squeeze %dma_start3A_461 : memref<1x200x64xf32, #tpu.memory_space<hbm>> -> memref<200x64xf32, #tpu.memory_space<hbm>>
      %dma_start3A_463 = arith.constant 0 : i32
      %dma_start3A_464 = arith.constant 0 : i32
      %dma_start3A_465 = tpu.memref_slice %arg6[%dma_start3A_450, %dma_start3A_463, %dma_start3A_464] : memref<4x200x64xf32, #tpu.memory_space<vmem>> -> memref<1x200x64xf32, #tpu.memory_space<vmem>>
      %dma_start3A_466 = tpu.memref_squeeze %dma_start3A_465 : memref<1x200x64xf32, #tpu.memory_space<vmem>> -> memref<200x64xf32, #tpu.memory_space<vmem>>
      tpu.enqueue_dma source(%dma_start3A_466 : memref<200x64xf32, #tpu.memory_space<vmem>>) target(%dma_start3A_462 : memref<200x64xf32, #tpu.memory_space<hbm>>) target_semaphore(%arg8 : memref<!tpu.dma_semaphore, #tpu.memory_space<semaphore_mem>>)
      %add3A_467 = arith.constant 1 : i32
      %add3A_468 = arith.addi %add3A_368, %add3A_467 : i32
      %mul3A_469 = arith.constant 2 : i32
      %mul3A_470 = arith.muli %add3A_468, %mul3A_469 : i32
      %add3A_471 = arith.constant 0 : i32
      %add3A_472 = arith.addi %mul3A_470, %add3A_471 : i32
      %mul3A_473 = arith.constant 200 : i32
      %mul3A_474 = arith.muli %add3A_472, %mul3A_473 : i32
      %dma_start3A_475 = arith.constant 2 : i32
      %dma_start3A_476 = arith.constant 0 : i32
      %dma_start3A_477 = arith.constant 0 : i32
      %dma_start3A_478 = tpu.memref_slice %arg6[%dma_start3A_475, %dma_start3A_476, %dma_start3A_477] : memref<4x200x64xf32, #tpu.memory_space<vmem>> -> memref<1x200x64xf32, #tpu.memory_space<vmem>>
      %dma_start3A_479 = tpu.memref_squeeze %dma_start3A_478 : memref<1x200x64xf32, #tpu.memory_space<vmem>> -> memref<200x64xf32, #tpu.memory_space<vmem>>
      %dma_start3A_480 = tpu.memref_slice %arg5[%mul3A_474] : memref<25600xi32, #tpu.memory_space<vmem>> -> memref<200xi32, #tpu.memory_space<vmem>>
      %dma_start3A_481 = arith.constant 0 : i32
      %dma_start3A_482 = arith.constant 0 : i32
      %dma_start3A_483 = tpu.memref_slice %arg3[%dma_start3A_481, %dma_start3A_482] : memref<1000000x64xf32, #tpu.memory_space<hbm>> -> memref<1000000x64xf32, #tpu.memory_space<hbm>>
      tpu.enqueue_indirect_dma source(%dma_start3A_483 : memref<1000000x64xf32, #tpu.memory_space<hbm>>) target(%dma_start3A_479 : memref<200x64xf32, #tpu.memory_space<vmem>>) offsets(%dma_start3A_480 : memref<200xi32, #tpu.memory_space<vmem>>) semaphore(%arg7 : memref<!tpu.dma_semaphore, #tpu.memory_space<semaphore_mem>>)
      %mul3A_484 = arith.constant 2 : i32
      %mul3A_485 = arith.muli %add3A_468, %mul3A_484 : i32
      %add3A_486 = arith.constant 1 : i32
      %add3A_487 = arith.addi %mul3A_485, %add3A_486 : i32
      %mul3A_488 = arith.constant 200 : i32
      %mul3A_489 = arith.muli %add3A_487, %mul3A_488 : i32
      %dma_start3A_490 = arith.constant 3 : i32
      %dma_start3A_491 = arith.constant 0 : i32
      %dma_start3A_492 = arith.constant 0 : i32
      %dma_start3A_493 = tpu.memref_slice %arg6[%dma_start3A_490, %dma_start3A_491, %dma_start3A_492] : memref<4x200x64xf32, #tpu.memory_space<vmem>> -> memref<1x200x64xf32, #tpu.memory_space<vmem>>
      %dma_start3A_494 = tpu.memref_squeeze %dma_start3A_493 : memref<1x200x64xf32, #tpu.memory_space<vmem>> -> memref<200x64xf32, #tpu.memory_space<vmem>>
      %dma_start3A_495 = tpu.memref_slice %arg5[%mul3A_489] : memref<25600xi32, #tpu.memory_space<vmem>> -> memref<200xi32, #tpu.memory_space<vmem>>
      %dma_start3A_496 = arith.constant 0 : i32
      %dma_start3A_497 = arith.constant 0 : i32
      %dma_start3A_498 = tpu.memref_slice %arg3[%dma_start3A_496, %dma_start3A_497] : memref<1000000x64xf32, #tpu.memory_space<hbm>> -> memref<1000000x64xf32, #tpu.memory_space<hbm>>
      tpu.enqueue_indirect_dma source(%dma_start3A_498 : memref<1000000x64xf32, #tpu.memory_space<hbm>>) target(%dma_start3A_494 : memref<200x64xf32, #tpu.memory_space<vmem>>) offsets(%dma_start3A_495 : memref<200xi32, #tpu.memory_space<vmem>>) semaphore(%arg7 : memref<!tpu.dma_semaphore, #tpu.memory_space<semaphore_mem>>)
    }
    %scan3A_105 = arith.constant 31 : i32
    %dma_wait3A_106 = arith.constant 2 : i32
    %dma_wait3A_107 = arith.constant 0 : i32
    %dma_wait3A_108 = arith.constant 0 : i32
    %dma_wait3A_109 = tpu.memref_slice %arg6[%dma_wait3A_106, %dma_wait3A_107, %dma_wait3A_108] : memref<4x200x64xf32, #tpu.memory_space<vmem>> -> memref<1x200x64xf32, #tpu.memory_space<vmem>>
    %dma_wait3A_110 = tpu.memref_squeeze %dma_wait3A_109 : memref<1x200x64xf32, #tpu.memory_space<vmem>> -> memref<200x64xf32, #tpu.memory_space<vmem>>
    %dma_wait3A_111 = arith.constant 0 : i32
    %dma_wait3A_112 = tpu.memref_slice %arg5[%dma_wait3A_111] : memref<25600xi32, #tpu.memory_space<vmem>> -> memref<200xi32, #tpu.memory_space<vmem>>
    %dma_wait3A_113 = arith.constant 0 : i32
    %dma_wait3A_114 = arith.constant 0 : i32
    %dma_wait3A_115 = tpu.memref_slice %arg3[%dma_wait3A_113, %dma_wait3A_114] : memref<1000000x64xf32, #tpu.memory_space<hbm>> -> memref<1000000x64xf32, #tpu.memory_space<hbm>>
    tpu.wait_indirect_dma semaphore(%arg7 : memref<!tpu.dma_semaphore, #tpu.memory_space<semaphore_mem>>) src(%dma_wait3A_115 : memref<1000000x64xf32, #tpu.memory_space<hbm>>) dst(%dma_wait3A_110 : memref<200x64xf32, #tpu.memory_space<vmem>>)
    %dma_wait3A_116 = arith.constant 3 : i32
    %dma_wait3A_117 = arith.constant 0 : i32
    %dma_wait3A_118 = arith.constant 0 : i32
    %dma_wait3A_119 = tpu.memref_slice %arg6[%dma_wait3A_116, %dma_wait3A_117, %dma_wait3A_118] : memref<4x200x64xf32, #tpu.memory_space<vmem>> -> memref<1x200x64xf32, #tpu.memory_space<vmem>>
    %dma_wait3A_120 = tpu.memref_squeeze %dma_wait3A_119 : memref<1x200x64xf32, #tpu.memory_space<vmem>> -> memref<200x64xf32, #tpu.memory_space<vmem>>
    %dma_wait3A_121 = arith.constant 0 : i32
    %dma_wait3A_122 = tpu.memref_slice %arg5[%dma_wait3A_121] : memref<25600xi32, #tpu.memory_space<vmem>> -> memref<200xi32, #tpu.memory_space<vmem>>
    %dma_wait3A_123 = arith.constant 0 : i32
    %dma_wait3A_124 = arith.constant 0 : i32
    %dma_wait3A_125 = tpu.memref_slice %arg3[%dma_wait3A_123, %dma_wait3A_124] : memref<1000000x64xf32, #tpu.memory_space<hbm>> -> memref<1000000x64xf32, #tpu.memory_space<hbm>>
    tpu.wait_indirect_dma semaphore(%arg7 : memref<!tpu.dma_semaphore, #tpu.memory_space<semaphore_mem>>) src(%dma_wait3A_125 : memref<1000000x64xf32, #tpu.memory_space<hbm>>) dst(%dma_wait3A_120 : memref<200x64xf32, #tpu.memory_space<vmem>>)
    %dma_wait3A_126 = arith.constant 0 : i32
    %dma_wait3A_127 = arith.constant 0 : i32
    %dma_wait3A_128 = arith.constant 0 : i32
    %dma_wait3A_129 = tpu.memref_slice %arg6[%dma_wait3A_126, %dma_wait3A_127, %dma_wait3A_128] : memref<4x200x64xf32, #tpu.memory_space<vmem>> -> memref<1x200x64xf32, #tpu.memory_space<vmem>>
    %dma_wait3A_130 = tpu.memref_squeeze %dma_wait3A_129 : memref<1x200x64xf32, #tpu.memory_space<vmem>> -> memref<200x64xf32, #tpu.memory_space<vmem>>
    %dma_wait3A_131 = arith.constant 0 : i32
    %dma_wait3A_132 = arith.constant 0 : i32
    %dma_wait3A_133 = tpu.memref_slice %arg4[%mul3A_4, %dma_wait3A_131, %dma_wait3A_132] : memref<4096x200x64xf32, #tpu.memory_space<hbm>> -> memref<1x200x64xf32, #tpu.memory_space<hbm>>
    %dma_wait3A_134 = tpu.memref_squeeze %dma_wait3A_133 : memref<1x200x64xf32, #tpu.memory_space<hbm>> -> memref<200x64xf32, #tpu.memory_space<hbm>>
    %dma_wait3A_135 = arith.constant 0 : i32
    %dma_wait3A_136 = arith.constant 0 : i32
    %dma_wait3A_137 = tpu.memref_slice %arg4[%mul3A_4, %dma_wait3A_135, %dma_wait3A_136] : memref<4096x200x64xf32, #tpu.memory_space<hbm>> -> memref<1x200x64xf32, #tpu.memory_space<hbm>>
    %dma_wait3A_138 = tpu.memref_squeeze %dma_wait3A_137 : memref<1x200x64xf32, #tpu.memory_space<hbm>> -> memref<200x64xf32, #tpu.memory_space<hbm>>
    %dma_wait3A_139 = arith.constant 0 : i32
    %dma_wait3A_140 = arith.constant 0 : i32
    %dma_wait3A_141 = tpu.memref_slice %arg6[%dma_wait3A_126, %dma_wait3A_139, %dma_wait3A_140] : memref<4x200x64xf32, #tpu.memory_space<vmem>> -> memref<1x200x64xf32, #tpu.memory_space<vmem>>
    %dma_wait3A_142 = tpu.memref_squeeze %dma_wait3A_141 : memref<1x200x64xf32, #tpu.memory_space<vmem>> -> memref<200x64xf32, #tpu.memory_space<vmem>>
    tpu.wait_dma2 semaphore(%arg8 : memref<!tpu.dma_semaphore, #tpu.memory_space<semaphore_mem>>) src(%dma_wait3A_142 : memref<200x64xf32, #tpu.memory_space<vmem>>) dst(%dma_wait3A_138 : memref<200x64xf32, #tpu.memory_space<hbm>>)
    %dma_wait3A_143 = arith.constant 1 : i32
    %dma_wait3A_144 = arith.constant 0 : i32
    %dma_wait3A_145 = arith.constant 0 : i32
    %dma_wait3A_146 = tpu.memref_slice %arg6[%dma_wait3A_143, %dma_wait3A_144, %dma_wait3A_145] : memref<4x200x64xf32, #tpu.memory_space<vmem>> -> memref<1x200x64xf32, #tpu.memory_space<vmem>>
    %dma_wait3A_147 = tpu.memref_squeeze %dma_wait3A_146 : memref<1x200x64xf32, #tpu.memory_space<vmem>> -> memref<200x64xf32, #tpu.memory_space<vmem>>
    %dma_wait3A_148 = arith.constant 0 : i32
    %dma_wait3A_149 = arith.constant 0 : i32
    %dma_wait3A_150 = tpu.memref_slice %arg4[%mul3A_4, %dma_wait3A_148, %dma_wait3A_149] : memref<4096x200x64xf32, #tpu.memory_space<hbm>> -> memref<1x200x64xf32, #tpu.memory_space<hbm>>
    %dma_wait3A_151 = tpu.memref_squeeze %dma_wait3A_150 : memref<1x200x64xf32, #tpu.memory_space<hbm>> -> memref<200x64xf32, #tpu.memory_space<hbm>>
    %dma_wait3A_152 = arith.constant 0 : i32
    %dma_wait3A_153 = arith.constant 0 : i32
    %dma_wait3A_154 = tpu.memref_slice %arg4[%mul3A_4, %dma_wait3A_152, %dma_wait3A_153] : memref<4096x200x64xf32, #tpu.memory_space<hbm>> -> memref<1x200x64xf32, #tpu.memory_space<hbm>>
    %dma_wait3A_155 = tpu.memref_squeeze %dma_wait3A_154 : memref<1x200x64xf32, #tpu.memory_space<hbm>> -> memref<200x64xf32, #tpu.memory_space<hbm>>
    %dma_wait3A_156 = arith.constant 0 : i32
    %dma_wait3A_157 = arith.constant 0 : i32
    %dma_wait3A_158 = tpu.memref_slice %arg6[%dma_wait3A_143, %dma_wait3A_156, %dma_wait3A_157] : memref<4x200x64xf32, #tpu.memory_space<vmem>> -> memref<1x200x64xf32, #tpu.memory_space<vmem>>
    %dma_wait3A_159 = tpu.memref_squeeze %dma_wait3A_158 : memref<1x200x64xf32, #tpu.memory_space<vmem>> -> memref<200x64xf32, #tpu.memory_space<vmem>>
    tpu.wait_dma2 semaphore(%arg8 : memref<!tpu.dma_semaphore, #tpu.memory_space<semaphore_mem>>) src(%dma_wait3A_159 : memref<200x64xf32, #tpu.memory_space<vmem>>) dst(%dma_wait3A_155 : memref<200x64xf32, #tpu.memory_space<hbm>>)
    %add3A_160 = arith.constant 126 : i32
    %add3A_161 = arith.addi %mul3A_4, %add3A_160 : i32
    %dma_start3A_162 = arith.constant 2 : i32
    %dma_start3A_163 = arith.constant 0 : i32
    %dma_start3A_164 = arith.constant 0 : i32
    %dma_start3A_165 = tpu.memref_slice %arg6[%dma_start3A_162, %dma_start3A_163, %dma_start3A_164] : memref<4x200x64xf32, #tpu.memory_space<vmem>> -> memref<1x200x64xf32, #tpu.memory_space<vmem>>
    %dma_start3A_166 = tpu.memref_squeeze %dma_start3A_165 : memref<1x200x64xf32, #tpu.memory_space<vmem>> -> memref<200x64xf32, #tpu.memory_space<vmem>>
    %dma_start3A_167 = arith.constant 0 : i32
    %dma_start3A_168 = arith.constant 0 : i32
    %dma_start3A_169 = tpu.memref_slice %arg4[%add3A_161, %dma_start3A_167, %dma_start3A_168] : memref<4096x200x64xf32, #tpu.memory_space<hbm>> -> memref<1x200x64xf32, #tpu.memory_space<hbm>>
    %dma_start3A_170 = tpu.memref_squeeze %dma_start3A_169 : memref<1x200x64xf32, #tpu.memory_space<hbm>> -> memref<200x64xf32, #tpu.memory_space<hbm>>
    %dma_start3A_171 = arith.constant 0 : i32
    %dma_start3A_172 = arith.constant 0 : i32
    %dma_start3A_173 = tpu.memref_slice %arg4[%add3A_161, %dma_start3A_171, %dma_start3A_172] : memref<4096x200x64xf32, #tpu.memory_space<hbm>> -> memref<1x200x64xf32, #tpu.memory_space<hbm>>
    %dma_start3A_174 = tpu.memref_squeeze %dma_start3A_173 : memref<1x200x64xf32, #tpu.memory_space<hbm>> -> memref<200x64xf32, #tpu.memory_space<hbm>>
    %dma_start3A_175 = arith.constant 0 : i32
    %dma_start3A_176 = arith.constant 0 : i32
    %dma_start3A_177 = tpu.memref_slice %arg6[%dma_start3A_162, %dma_start3A_175, %dma_start3A_176] : memref<4x200x64xf32, #tpu.memory_space<vmem>> -> memref<1x200x64xf32, #tpu.memory_space<vmem>>
    %dma_start3A_178 = tpu.memref_squeeze %dma_start3A_177 : memref<1x200x64xf32, #tpu.memory_space<vmem>> -> memref<200x64xf32, #tpu.memory_space<vmem>>
    tpu.enqueue_dma source(%dma_start3A_178 : memref<200x64xf32, #tpu.memory_space<vmem>>) target(%dma_start3A_174 : memref<200x64xf32, #tpu.memory_space<hbm>>) target_semaphore(%arg8 : memref<!tpu.dma_semaphore, #tpu.memory_space<semaphore_mem>>)
    %add3A_179 = arith.constant 127 : i32
    %add3A_180 = arith.addi %mul3A_4, %add3A_179 : i32
    %dma_start3A_181 = arith.constant 3 : i32
    %dma_start3A_182 = arith.constant 0 : i32
    %dma_start3A_183 = arith.constant 0 : i32
    %dma_start3A_184 = tpu.memref_slice %arg6[%dma_start3A_181, %dma_start3A_182, %dma_start3A_183] : memref<4x200x64xf32, #tpu.memory_space<vmem>> -> memref<1x200x64xf32, #tpu.memory_space<vmem>>
    %dma_start3A_185 = tpu.memref_squeeze %dma_start3A_184 : memref<1x200x64xf32, #tpu.memory_space<vmem>> -> memref<200x64xf32, #tpu.memory_space<vmem>>
    %dma_start3A_186 = arith.constant 0 : i32
    %dma_start3A_187 = arith.constant 0 : i32
    %dma_start3A_188 = tpu.memref_slice %arg4[%add3A_180, %dma_start3A_186, %dma_start3A_187] : memref<4096x200x64xf32, #tpu.memory_space<hbm>> -> memref<1x200x64xf32, #tpu.memory_space<hbm>>
    %dma_start3A_189 = tpu.memref_squeeze %dma_start3A_188 : memref<1x200x64xf32, #tpu.memory_space<hbm>> -> memref<200x64xf32, #tpu.memory_space<hbm>>
    %dma_start3A_190 = arith.constant 0 : i32
    %dma_start3A_191 = arith.constant 0 : i32
    %dma_start3A_192 = tpu.memref_slice %arg4[%add3A_180, %dma_start3A_190, %dma_start3A_191] : memref<4096x200x64xf32, #tpu.memory_space<hbm>> -> memref<1x200x64xf32, #tpu.memory_space<hbm>>
    %dma_start3A_193 = tpu.memref_squeeze %dma_start3A_192 : memref<1x200x64xf32, #tpu.memory_space<hbm>> -> memref<200x64xf32, #tpu.memory_space<hbm>>
    %dma_start3A_194 = arith.constant 0 : i32
    %dma_start3A_195 = arith.constant 0 : i32
    %dma_start3A_196 = tpu.memref_slice %arg6[%dma_start3A_181, %dma_start3A_194, %dma_start3A_195] : memref<4x200x64xf32, #tpu.memory_space<vmem>> -> memref<1x200x64xf32, #tpu.memory_space<vmem>>
    %dma_start3A_197 = tpu.memref_squeeze %dma_start3A_196 : memref<1x200x64xf32, #tpu.memory_space<vmem>> -> memref<200x64xf32, #tpu.memory_space<vmem>>
    tpu.enqueue_dma source(%dma_start3A_197 : memref<200x64xf32, #tpu.memory_space<vmem>>) target(%dma_start3A_193 : memref<200x64xf32, #tpu.memory_space<hbm>>) target_semaphore(%arg8 : memref<!tpu.dma_semaphore, #tpu.memory_space<semaphore_mem>>)
    %dma_wait3A_198 = arith.constant 2 : i32
    %dma_wait3A_199 = arith.constant 0 : i32
    %dma_wait3A_200 = arith.constant 0 : i32
    %dma_wait3A_201 = tpu.memref_slice %arg6[%dma_wait3A_198, %dma_wait3A_199, %dma_wait3A_200] : memref<4x200x64xf32, #tpu.memory_space<vmem>> -> memref<1x200x64xf32, #tpu.memory_space<vmem>>
    %dma_wait3A_202 = tpu.memref_squeeze %dma_wait3A_201 : memref<1x200x64xf32, #tpu.memory_space<vmem>> -> memref<200x64xf32, #tpu.memory_space<vmem>>
    %dma_wait3A_203 = arith.constant 0 : i32
    %dma_wait3A_204 = arith.constant 0 : i32
    %dma_wait3A_205 = tpu.memref_slice %arg4[%mul3A_4, %dma_wait3A_203, %dma_wait3A_204] : memref<4096x200x64xf32, #tpu.memory_space<hbm>> -> memref<1x200x64xf32, #tpu.memory_space<hbm>>
    %dma_wait3A_206 = tpu.memref_squeeze %dma_wait3A_205 : memref<1x200x64xf32, #tpu.memory_space<hbm>> -> memref<200x64xf32, #tpu.memory_space<hbm>>
    %dma_wait3A_207 = arith.constant 0 : i32
    %dma_wait3A_208 = arith.constant 0 : i32
    %dma_wait3A_209 = tpu.memref_slice %arg4[%mul3A_4, %dma_wait3A_207, %dma_wait3A_208] : memref<4096x200x64xf32, #tpu.memory_space<hbm>> -> memref<1x200x64xf32, #tpu.memory_space<hbm>>
    %dma_wait3A_210 = tpu.memref_squeeze %dma_wait3A_209 : memref<1x200x64xf32, #tpu.memory_space<hbm>> -> memref<200x64xf32, #tpu.memory_space<hbm>>
    %dma_wait3A_211 = arith.constant 0 : i32
    %dma_wait3A_212 = arith.constant 0 : i32
    %dma_wait3A_213 = tpu.memref_slice %arg6[%dma_wait3A_198, %dma_wait3A_211, %dma_wait3A_212] : memref<4x200x64xf32, #tpu.memory_space<vmem>> -> memref<1x200x64xf32, #tpu.memory_space<vmem>>
    %dma_wait3A_214 = tpu.memref_squeeze %dma_wait3A_213 : memref<1x200x64xf32, #tpu.memory_space<vmem>> -> memref<200x64xf32, #tpu.memory_space<vmem>>
    tpu.wait_dma2 semaphore(%arg8 : memref<!tpu.dma_semaphore, #tpu.memory_space<semaphore_mem>>) src(%dma_wait3A_214 : memref<200x64xf32, #tpu.memory_space<vmem>>) dst(%dma_wait3A_210 : memref<200x64xf32, #tpu.memory_space<hbm>>)
    %dma_wait3A_215 = arith.constant 3 : i32
    %dma_wait3A_216 = arith.constant 0 : i32
    %dma_wait3A_217 = arith.constant 0 : i32
    %dma_wait3A_218 = tpu.memref_slice %arg6[%dma_wait3A_215, %dma_wait3A_216, %dma_wait3A_217] : memref<4x200x64xf32, #tpu.memory_space<vmem>> -> memref<1x200x64xf32, #tpu.memory_space<vmem>>
    %dma_wait3A_219 = tpu.memref_squeeze %dma_wait3A_218 : memref<1x200x64xf32, #tpu.memory_space<vmem>> -> memref<200x64xf32, #tpu.memory_space<vmem>>
    %dma_wait3A_220 = arith.constant 0 : i32
    %dma_wait3A_221 = arith.constant 0 : i32
    %dma_wait3A_222 = tpu.memref_slice %arg4[%mul3A_4, %dma_wait3A_220, %dma_wait3A_221] : memref<4096x200x64xf32, #tpu.memory_space<hbm>> -> memref<1x200x64xf32, #tpu.memory_space<hbm>>
    %dma_wait3A_223 = tpu.memref_squeeze %dma_wait3A_222 : memref<1x200x64xf32, #tpu.memory_space<hbm>> -> memref<200x64xf32, #tpu.memory_space<hbm>>
    %dma_wait3A_224 = arith.constant 0 : i32
    %dma_wait3A_225 = arith.constant 0 : i32
    %dma_wait3A_226 = tpu.memref_slice %arg4[%mul3A_4, %dma_wait3A_224, %dma_wait3A_225] : memref<4096x200x64xf32, #tpu.memory_space<hbm>> -> memref<1x200x64xf32, #tpu.memory_space<hbm>>
    %dma_wait3A_227 = tpu.memref_squeeze %dma_wait3A_226 : memref<1x200x64xf32, #tpu.memory_space<hbm>> -> memref<200x64xf32, #tpu.memory_space<hbm>>
    %dma_wait3A_228 = arith.constant 0 : i32
    %dma_wait3A_229 = arith.constant 0 : i32
    %dma_wait3A_230 = tpu.memref_slice %arg6[%dma_wait3A_215, %dma_wait3A_228, %dma_wait3A_229] : memref<4x200x64xf32, #tpu.memory_space<vmem>> -> memref<1x200x64xf32, #tpu.memory_space<vmem>>
    %dma_wait3A_231 = tpu.memref_squeeze %dma_wait3A_230 : memref<1x200x64xf32, #tpu.memory_space<vmem>> -> memref<200x64xf32, #tpu.memory_space<vmem>>
    tpu.wait_dma2 semaphore(%arg8 : memref<!tpu.dma_semaphore, #tpu.memory_space<semaphore_mem>>) src(%dma_wait3A_231 : memref<200x64xf32, #tpu.memory_space<vmem>>) dst(%dma_wait3A_227 : memref<200x64xf32, #tpu.memory_space<hbm>>)
    return
  }
}

</mosaic_0001>

<sc_bundles>
// kernel: kernel.3.cloned.1.call-start
scs
__scs_entry_jumppad:
0x0: {  	(pc) =	sbr.rel $0x88, $3  }
0x1: {  	(tag) =	ssettag $0x0;
	lr =	simm.s32 $0x1  }
0x2: {  	[smem:$0x3F9F] =	sst lr;
	_ =	strace $0xD0000000  }
0x3: {  	_ = 	snop  }
0x4: {  	_ = 	snop  }
0x5: {  	_ = 	snop  }
0x6: {  	_ = 	snop  }
0x7: {  	_ = 	snop  }
__scs_overlays_trampoline_lowered:
0x8: {  	[smem:$0x3FAE] =	sst s0  }
0x9: {  	[smem:$0x3FAF] =	sst s1  }
0xa: {  	[smem:$0x3FB0] =	sst s2  }
0xb: {  	[smem:$0x3FB1] =	sst s3  }
0xc: {  	[smem:$0x3FB2] =	sst s4  }
0xd: {  	[smem:$0x3FB3] =	sst s5  }
0xe: {  	[smem:$0x3FB4] =	sst s6  }
0xf: {  	[smem:$0x3FB5] =	sst s7  }
0x10: {  	[smem:$0x3FB6] =	sst s8  }
0x11: {  	[smem:$0x3FB7] =	sst s9;
	s0 =	simm.s32 @!p0 $0x0  }
0x12: {  	s1 =	sld [smem:$0x3F9D];
	s0 =	simm.s32 @p0 $0x1  }
0x13: {  	[smem:$0x3FB8] =	sst s0;
	s0 =	simm.s32 @!p1 $0x0  }
0x14: {  	s2 =	sld [smem:$0x3F9C];
	s0 =	simm.s32 @p1 $0x1  }
0x15: {  	[smem:$0x3FB9] =	sst s0;
	s0 =	simm.s32 @!p2 $0x0  }
0x16: {  	s3 =	sld [smem:$0x3FDB];
	s0 =	simm.s32 @p2 $0x1  }
0x17: {  	s4 =	simm.s32 $0x1BF5;
	[smem:$0x3FBB] =	sst s0  }
0x18: {  	s0 =	sld [smem:$0x3F9E];
	_ =	swait.ge [sflag:s4], $0x0  }
0x19: {  	s7 =	sld [smem:$0x3F9F]  }
0x1a: {  	s8 =	sadd.s32 $0xFFFFE003, lr  }
0x1b: {  	s9 =	sadd.s32 $0xFFFFFEF7, lr;
	s5 =	simm.s32 $0xFFFFFFFF;
	p2 =	slt.u32 s8, $0xFFFFF086  }
0x1c: {  	p1 =	slt.u32 s9, $0xF7A;
	s5 =	simm.s32 @!p2 $0x0  }
0x1d: {  	s5 =	simm.s32 @p1 $0x1;
	p0 =	seq.s32 s7, s2  }
0x1e: {  	s7 =	smul.u32 @!p0 $0xF7A, s2;
	p2 =	seq.s32 @!p0 s5, $0x0  }
0x1f: {  	s9 =	smul.u32 $0xF7A, s1;
	s8 =	simm.s32 @!p0 $0x1BF5;
	p2 =	por !p2, p0  }
0x20: {  	[sflag:s8] =	ssyncset.s32 @!p0 $0xFFFFF086;
	s6 =	sadd.s32 @!p0 s3, s7;
	s7 =	simm.s32 @!p0 $0x108  }
0x21: {  	s3 =	sadd.s32 s3, s9;
	s6 =	sadd.s32 @!p0 $0x88, s6;
	s7 =	simm.s32 @p2 $0x1082  }
0x22: {  	[simem:s7], [sflag:s8] =	dma.local @!p0 [hbm:s6], $0xF7A  }
0x23: {  	s9 =	sor.u32 $0xD0000000, s2;
	s6 =	simm.s32 $0x108;
	_ =	swait.ge @!p0 [sflag:s8], $0x0  }
0x24: {  	s3 =	sadd.s32 $0x88, s3;
	s6 =	simm.s32 @!p1 $0x1082;
	[sflag:s4] =	ssyncset.s32 $0xFFFFF086  }
0x25: {  	[simem:s6], [sflag:s4] =	dma.local [hbm:s3], $0xF7A  }
0x26: {  	[smem:$0x3F9F] =	sst s1;
	(tag) =	ssettag s2;
	_ =	strace s9  }
0x27: {  	s1 =	sld [smem:$0x3FAF]  }
0x28: {  	s2 =	sld [smem:$0x3FB0]  }
0x29: {  	s4 =	sld [smem:$0x3FB2]  }
0x2a: {  	p0 =	seq.s32 s5, $0x0;
	s5 =	sld [smem:$0x3FB3]  }
0x2b: {  	s6 =	sld [smem:$0x3FB4]  }
0x2c: {  	s7 =	sld [smem:$0x3FB5]  }
0x2d: {  	s3 =	simm.s32 $0x108;
	s8 =	sld [smem:$0x3FB6]  }
0x2e: {  	s3 =	simm.s32 @!p0 $0x1082;
	s9 =	sld [smem:$0x3FB7]  }
0x2f: {  	lr =	sadd.s32 s0, s3;
	s0 =	sld [smem:$0x3FAE]  }
0x30: {  	s3 =	sld [smem:$0x3FB1]  }
0x31: {  	[smem:$0x3FBA] =	sst s10  }
0x32: {  	s10 =	sld [smem:$0x3FB8];
	_ =	sdelay $0x3  }
0x33: {  	p0 =	seq.s32 s10, $0x1;
	s10 =	sld [smem:$0x3FBA];
	_ =	sdelay $0x3  }
0x34: {  	[smem:$0x3FBA] =	sst s10  }
0x35: {  	s10 =	sld [smem:$0x3FB9];
	_ =	sdelay $0x3  }
0x36: {  	p1 =	seq.s32 s10, $0x1;
	s10 =	sld [smem:$0x3FBA];
	_ =	sdelay $0x3  }
0x37: {  	[smem:$0x3FBA] =	sst s10  }
0x38: {  	s10 =	sld [smem:$0x3FBB]  }
0x39: {  	_ = 	snop;
	(pc) =	sbr.ind lr, $3  }
0x3a: {  	_ = 	snop  }
0x3b: {  	_ = 	snop  }
0x3c: {  	p2 =	seq.s32 s10, $0x1;
	s10 =	sld [smem:$0x3FBA]  }
0x3d: {  	_ =	shalt  }
0x3e: {  	_ =	shalt  }
0x3f: {  	_ =	shalt  }
0x40: {  	_ =	shalt  }
0x41: {  	_ =	shalt  }
0x42: {  	_ =	shalt  }
0x43: {  	_ =	shalt  }
0x44: {  	_ =	shalt  }
0x45: {  	_ =	shalt  }
0x46: {  	_ =	shalt  }
0x47: {  	_ =	shalt  }
0x48: {  	_ =	shalt  }
0x49: {  	_ =	shalt  }
0x4a: {  	_ =	shalt  }
0x4b: {  	_ =	shalt  }
0x4c: {  	_ =	shalt  }
0x4d: {  	_ =	shalt  }
0x4e: {  	_ =	shalt  }
0x4f: {  	_ =	shalt  }
0x50: {  	_ =	shalt  }
0x51: {  	_ =	shalt  }
0x52: {  	_ =	shalt  }
0x53: {  	_ =	shalt  }
0x54: {  	_ =	shalt  }
0x55: {  	_ =	shalt  }
0x56: {  	_ =	shalt  }
0x57: {  	_ =	shalt  }
0x58: {  	_ =	shalt  }
0x59: {  	_ =	shalt  }
0x5a: {  	_ =	shalt  }
0x5b: {  	_ =	shalt  }
0x5c: {  	_ =	shalt  }
0x5d: {  	_ =	shalt  }
0x5e: {  	_ =	shalt  }
0x5f: {  	_ =	shalt  }
0x60: {  	_ =	shalt  }
0x61: {  	_ =	shalt  }
0x62: {  	_ =	shalt  }
0x63: {  	_ =	shalt  }
0x64: {  	_ =	shalt  }
0x65: {  	_ =	shalt  }
0x66: {  	_ =	shalt  }
0x67: {  	_ =	shalt  }
0x68: {  	_ =	shalt  }
0x69: {  	_ =	shalt  }
0x6a: {  	_ =	shalt  }
0x6b: {  	_ =	shalt  }
0x6c: {  	_ =	shalt  }
0x6d: {  	_ =	shalt  }
0x6e: {  	_ =	shalt  }
0x6f: {  	_ =	shalt  }
0x70: {  	_ =	shalt  }
0x71: {  	_ =	shalt  }
0x72: {  	_ =	shalt  }
0x73: {  	_ =	shalt  }
0x74: {  	_ =	shalt  }
0x75: {  	_ =	shalt  }
0x76: {  	_ =	shalt  }
0x77: {  	_ =	shalt  }
0x78: {  	_ =	shalt  }
0x79: {  	_ =	shalt  }
0x7a: {  	_ =	shalt  }
0x7b: {  	_ =	shalt  }
0x7c: {  	_ =	shalt  }
0x7d: {  	_ =	shalt  }
0x7e: {  	_ =	shalt  }
0x7f: {  	_ =	shalt  }
0x80: {  	_ =	shalt  }
0x81: {  	_ =	shalt  }
0x82: {  	_ =	shalt  }
0x83: {  	_ =	shalt  }
0x84: {  	_ =	shalt  }
0x85: {  	_ =	shalt  }
0x86: {  	_ =	shalt  }
0x87: {  	_ =	shalt  }
.Lfunc_end0:
.L_simem_size_0:
called_computation.1_lowered:
.L_overlay_start_0:
0x88: {  	s2 =	sld [smem:$0x3FD9]  }
0x89: {  	s3 =	sld [smem:$0x3FFE];
	_ =	sdelay $0x1  }
0x8a: {  	s1 =	srdreg.scid  }
0x8b: {  	s0 =	sand.u32 $0x1, s1  }
0x8c: {  	s17 =	sshll.u32 s0, $0xA;
	s2 =	sadd.s32 s3, s2  }
0x8d: {  	s2 =	sadd.s32 s2, s17  }
0x8e: {  	[smem:$0x3FC6] =	sst s2  }
0x8f: {  	_ = 	snop  }
0x90: {  	s2 =	sld [smem:$0x3FD0];
	(tm) =	ssettm $0x1  }
0x91: {  	s18 =	sld [smem:$0x3FFB];
	_ =	sdelay $0x3  }
0x92: {  	_ =	strace s18  }
0x93: {  	s3 =	sld [smem:$0x3FFC];
	_ =	sdelay $0x3  }
0x94: {  	_ =	strace s3  }
0x95: {  	s3 =	sld [smem:$0x3FFD];
	_ =	sdelay $0x3  }
0x96: {  	_ =	strace s3  }
0x97: {  	_ =	strace $0x8FFFFFFF  }
0x98: {  	s19 =	sld [smem:$0x3FDB];
	_ =	sdelay $0x1  }
0x99: {  	s4 =	simm.s32 $_scs_section_size  }
0x9a: {  	s5 =	simm.s32 $_size__tile_overlayer_lowered;
	s6 =	simm.s32 $_tile_overlayer_lowered  }
0x9b: {  	s22 =	simm.s32 $0x1BFF;
	s21 =	sshll.u32 s6, $0x1;
	s3 =	sadd.s32 s4, s19  }
0x9c: {  	s7 =	simm.s32 $0x0;
	s20 =	sshll.u32 s5, $0x1;
	s5 =	sadd.s32 s21, s3  }
0x9d: {  	[timem:s7], [sflag:s22] =	dma.local [hbm:s5], s20  }
0x9e: {  	_ =	swait.ge [sflag:s22], s20  }
0x9f: {  	s4 =	ssub.s32 $0x0, s20;
	[sflag:s22] =	ssyncset.done $0x0  }
0xa0: {  	[sflag:s22] =	ssyncadd.s32 s4;
	_ =	sdelay $0x1  }
0xa1: {  	s23 =	simm.s32 $0x1B8B  }
0xa2: {  	_ =	swait.ge [sflag:s23], $0x1  }
0xa3: {  	[sflag:s23] =	ssyncset.done $0x0  }
0xa4: {  	s25 =	simm.s32 $0x1B8E;
	s24 =	sld [smem:$0x3FFE];
	[sflag:s23] =	ssyncadd.s32 $0xFFFFFFFF  }
0xa5: {  	s26 =	simm.s32 $execute0_lowered;
	[smem:$0x3FD2] =	sst s25  }
0xa6: {  	s5 =	sshll.u32 s26, $0x1;
	_ =	strace $0x80000046;
	[dreg:$0x1] =	wrdreg $0xFFFFFFFF  }
0xa7: {  	s28 =	simm.s32 $_size_execute0_lowered;
	s3 =	sadd.s32 s3, s5;
	[dreg:$0x0] =	wrdreg $0x0  }
0xa8: {  	s5 =	sshll.u32 s28, $0x1;
	[dreg:$0x2] =	wrdreg s3  }
0xa9: {  	[dreg:$0x3] =	wrdreg s5  }
0xaa: {  	[dreg:$0x4] =	wrdreg $0xC0  }
0xab: {  	_ =	task [dreg:s7], $0x5FFFF  }
0xac: {  	[dreg:$0x1] =	wrdreg $0xFFFFFFFF  }
0xad: {  	[dreg:$0x0] =	wrdreg $0x60  }
0xae: {  	[dreg:$0x2] =	wrdreg s24  }
0xaf: {  	[dreg:$0x3] =	wrdreg s2  }
0xb0: {  	[dreg:$0x4] =	wrdreg $0x9  }
0xb1: {  	_ =	task.clear_ibuf [dreg:s7], $0x5FFFF;
	_ =	strace $0x90000046  }
0xb2: {  	s29 =	simm.s32 $0x9;
	_ =	strace $0x80000048  }
0xb3: {  	_ =	swait.ge [sflag:s29], $0x1  }
0xb4: {  	[sflag:s29] =	ssyncadd.s32 $0xFFFFFFFF  }
0xb5: {  	_ =	strace $0x90000048  }
0xb6: {  	_ =	sfence  }
0xb7: {  	s30 =	sld [smem:$0x0];
	_ =	sdelay $0x2  }
0xb8: {  	s31 =	sshll.u32 s1, $0xD;
	s1 =	sshrl.u32 s1, $0x2  }
0xb9: {  	s3 =	sand.u32 $0x4000, s31;
	s1 =	sadd.s32 s1, s30  }
0xba: {  	s0 =	sor.u32 s3, s0;
	s1 =	sshll.u32 s1, $0x11  }
0xbb: {  	s0 =	sor.u32 s1, s0  }
0xbc: {  	s0 =	sadd.s32 $0x8F2B, s0  }
0xbd: {  	[sflag:s0] =	ssyncadd.remote.s32 $0x1  }
0xbe: {  	_ =	sfence.sel $0xFFFF  }
0xbf: {  	[dreg:$0x0] =	wrdreg $0xFFFFFFFF;
	(pc) =	sbr.abs _section_cstart, $3  }
0xc0: {  	[dreg:$0x1] =	wrdreg $0xFFFFFFFF  }
0xc1: {  	_ =	task.clear_ibuf [dreg:s7], $0x2FFFF;
	_ =	strace $0x9FFFFFFF  }
0xc2: {  	(tm) =	ssettm $0x7FFFFFFF  }
0xc3: {  	_ =	shalt  }
tec
execute0_lowered:
.L_overlay_start_1:
0x0: {  	(tag) =	ssettag $0x1  }
0x1: {  	s3 =	rddreg [dreg:$0x0]  }
0x2: {  	s1 =	srdreg.scid;
	s0 =	stileid.u32  }
0x3: {  	s10 =	rddreg [dreg:$0x1];
	s2 =	simm.s32 $0x0;
	s14 =	simm.s32 $0x9600  }
0x4: {  	s15 =	simm.s32 $0x1;
	s16 =	simm.s32 $0x190;
	s17 =	simm.s32 $0xC800  }
0x5: {  	s18 =	simm.s32 $0x258;
	s19 =	simm.s32 $0xFA00;
	s20 =	simm.s32 $0x2  }
0x6: {  	s8 =	sand.u32 $0x1, s1;
	s4 =	sshll.u32 s0, $0x1;
	s12 =	smul.u32 $0x64000, s0  }
0x7: {  	s21 =	simm.s32 $0x0;
	s4 =	sor.u32 s8, s4;
	s13 =	smul.u32 $0x32000, s8  }
0x8: {  	s1 =	rddreg [dreg:$0x2];
	s6 =	ssub.s32 $0x2, s8;
	s5 =	smul.u32 $0xC80, s4  }
0x9: {  	[smem:$0x7FF] =	sst s2;
	s7 =	smul.u32 $0x190000, s4;
	s9 =	sshrl.u32 s6, $0x1  }
0xa: {  	_ =	strace $0x80000047;
	s11 =	smul.u32 $0x32000, s4;
	s9 =	ssub.s32 s6, s9  }
0xb: {  	s5 =	sadd.s32 s5, s3;
	s3 =	sadd.s32 $0xF42E00, s3;
	s30 =	sshrl.u32 s7, $0x3  }
0xc: {  	s9 =	smax.u32 s9, $0x1;
	s4 =	sadd.s32 $0xA00, s5;
	s5 =	sadd.s32 s10, s11  }
0xd: {  	s31 =	sadd.s32 s10, s30;
	s10 =	sadd.s32 s12, s10;
	s11 =	simm.s32 $0x3  }
0xe: {  	s12 =	simm.s32 $0xC8;
	s6 =	sadd.s32 $0x640, s5;
	s7 =	sadd.s32 $0x31380, s31  }
0xf: {  	s8 =	sadd.s32 $0x319C0, s31;
	s10 =	sadd.s32 s13, s10;
	s13 =	simm.s32 $0x6400  }
.LBB2_1:
0x10: {  	[tilespmem:s2], [sflag:$0x3] =	stream.linear.gather [hbm4b:s4+s2], $0x6400, $0x38;
	[tilespmem:$0x12C00] =	vst v63  }
0x11: {  	_ =	swait.ge [sflag:s11], $0x6400  }
0x12: {  	[sflag:s11] =	ssyncset.done $0x0  }
0x13: {  	[sflag:s11] =	ssyncadd.s32 $0xFFFF9C00  }
0x14: {  	[tilespmem:s13], [sflag:$0x1] =	stream.indirect.gather [hbm4b:s3+s12], $0x40, s2, s12, $0xb8;
	[tilespmem:$0x12C00] =	vst v63  }
0x15: {  	_ = 	snop  }
0x16: {  	[tilespmem:s14], [sflag:$0x1] =	stream.indirect.gather [hbm4b:s3+s12], $0x40, s12, s12, $0xb8;
	[tilespmem:$0x12C00] =	vst v63  }
0x17: {  	_ =	swait.ge [sflag:s15], $0x3200  }
0x18: {  	[sflag:s15] =	ssyncset.done $0x0  }
0x19: {  	[sflag:s15] =	ssyncadd.s32 $0xFFFFCE00  }
0x1a: {  	_ =	swait.ge [sflag:s15], $0x3200  }
0x1b: {  	[sflag:s15] =	ssyncset.done $0x0  }
0x1c: {  	[sflag:s15] =	ssyncadd.s32 $0xFFFFCE00  }
0x1d: {  	[hbm4b:s5+s2] =	stream.linear.scatter [tilespmem:s13], [sflag:$0x2], $0x3200, $0x38;
	[tilespmem:$0x12C00] =	vst v63  }
0x1e: {  	_ = 	snop  }
0x1f: {  	[hbm4b:s6+s2] =	stream.linear.scatter [tilespmem:s14], [sflag:$0x2], $0x3200, $0x38;
	[tilespmem:$0x12C00] =	vst v63  }
0x20: {  	_ = 	snop  }
0x21: {  	[tilespmem:s17], [sflag:$0x1] =	stream.indirect.gather [hbm4b:s3+s12], $0x40, s16, s12, $0xb8;
	[tilespmem:$0x12C00] =	vst v63  }
0x22: {  	_ = 	snop  }
0x23: {  	[tilespmem:s19], [sflag:$0x1] =	stream.indirect.gather [hbm4b:s3+s12], $0x40, s18, s12, $0xb8;
	[tilespmem:$0x12C00] =	vst v63  }
0x24: {  	_ =	swait.ge [sflag:s15], $0x3200  }
0x25: {  	[sflag:s15] =	ssyncset.done $0x0  }
0x26: {  	[sflag:s15] =	ssyncadd.s32 $0xFFFFCE00  }
0x27: {  	_ =	swait.ge [sflag:s15], $0x3200  }
0x28: {  	[sflag:s15] =	ssyncset.done $0x0  }
0x29: {  	[sflag:s15] =	ssyncadd.s32 $0xFFFFCE00  }
0x2a: {  	_ =	swait.ge [sflag:s20], $0x3200  }
0x2b: {  	[sflag:s20] =	ssyncset.done $0x0  }
0x2c: {  	[sflag:s20] =	ssyncadd.s32 $0xFFFFCE00  }
0x2d: {  	_ =	swait.ge [sflag:s20], $0x3200  }
0x2e: {  	s22 =	sadd.s32 $0x0, s10;
	[sflag:s20] =	ssyncset.done $0x0  }
0x2f: {  	s23 =	sadd.s32 $0xC80, s22;
	[sflag:s20] =	ssyncadd.s32 $0xFFFFCE00  }
0x30: {  	[hbm4b:s23+s2] =	stream.linear.scatter [tilespmem:s17], [sflag:$0x2], $0x3200, $0x38;
	[tilespmem:$0x12C00] =	vst v63  }
0x31: {  	s26 =	sadd.s32 $0x12C0, s22  }
0x32: {  	[hbm4b:s26+s2] =	stream.linear.scatter [tilespmem:s19], [sflag:$0x2], $0x3200, $0x38;
	[tilespmem:$0x12C00] =	vst v63  }
0x33: {  	s28 =	simm.s32 $0x320  }
0x34: {  	[tilespmem:s13], [sflag:$0x1] =	stream.indirect.gather [hbm4b:s3+s12], $0x40, s28, s12, $0xb8;
	[tilespmem:$0x12C00] =	vst v63  }
0x35: {  	s29 =	simm.s32 $0x3E8  }
0x36: {  	[tilespmem:s14], [sflag:$0x1] =	stream.indirect.gather [hbm4b:s3+s12], $0x40, s29, s12, $0xb8;
	[tilespmem:$0x12C00] =	vst v63  }
0x37: {  	_ =	swait.ge [sflag:s15], $0x3200  }
0x38: {  	[sflag:s15] =	ssyncset.done $0x0  }
0x39: {  	[sflag:s15] =	ssyncadd.s32 $0xFFFFCE00  }
0x3a: {  	_ =	swait.ge [sflag:s15], $0x3200  }
0x3b: {  	[sflag:s15] =	ssyncset.done $0x0  }
0x3c: {  	[sflag:s15] =	ssyncadd.s32 $0xFFFFCE00  }
0x3d: {  	_ =	swait.ge [sflag:s20], $0x3200  }
0x3e: {  	[sflag:s20] =	ssyncset.done $0x0  }
0x3f: {  	[sflag:s20] =	ssyncadd.s32 $0xFFFFCE00  }
0x40: {  	_ =	swait.ge [sflag:s20], $0x3200  }
0x41: {  	[sflag:s20] =	ssyncset.done $0x0  }
0x42: {  	s30 =	sadd.s32 $0x1900, s22;
	[sflag:s20] =	ssyncadd.s32 $0xFFFFCE00  }
0x43: {  	[hbm4b:s30+s2] =	stream.linear.scatter [tilespmem:s13], [sflag:$0x2], $0x3200, $0x38;
	[tilespmem:$0x12C00] =	vst v63  }
0x44: {  	s31 =	simm.s32 $0x4B0;
	s22 =	sadd.s32 $0x1F40, s22  }
0x45: {  	[hbm4b:s22+s2] =	stream.linear.scatter [tilespmem:s14], [sflag:$0x2], $0x3200, $0x38;
	[tilespmem:$0x12C00] =	vst v63  }
0x46: {  	s24 =	simm.s32 $0x898;
	s23 =	simm.s32 $0x1900;
	s22 =	simm.s32 $0x578  }
0x47: {  	[tilespmem:s17], [sflag:$0x1] =	stream.indirect.gather [hbm4b:s3+s12], $0x40, s31, s12, $0xb8;
	[tilespmem:$0x12C00] =	vst v63  }
.LBB2_2:
0x48: {  	[tilespmem:s19], [sflag:$0x1] =	stream.indirect.gather [hbm4b:s3+s12], $0x40, s22, s12, $0xb8;
	[tilespmem:$0x12C00] =	vst v63  }
0x49: {  	s25 =	smov.u32 s23;
	s22 =	smov.u32 s24  }
0x4a: {  	p0 =	sne.s32 s23, $0x2EE00;
	s23 =	sadd.s32 $0x1900, s23;
	_ =	swait.ge [sflag:s15], $0x3200  }
0x4b: {  	[sflag:s15] =	ssyncset.done $0x0  }
0x4c: {  	[sflag:s15] =	ssyncadd.s32 $0xFFFFCE00  }
0x4d: {  	_ =	swait.ge [sflag:s15], $0x3200  }
0x4e: {  	[sflag:s15] =	ssyncset.done $0x0  }
0x4f: {  	[sflag:s15] =	ssyncadd.s32 $0xFFFFCE00  }
0x50: {  	_ =	swait.ge [sflag:s20], $0x3200  }
0x51: {  	[sflag:s20] =	ssyncset.done $0x0  }
0x52: {  	[sflag:s20] =	ssyncadd.s32 $0xFFFFCE00  }
0x53: {  	_ =	swait.ge [sflag:s20], $0x3200  }
0x54: {  	s25 =	sadd.s32 s25, s10;
	[sflag:s20] =	ssyncset.done $0x0  }
0x55: {  	s26 =	sadd.s32 $0xC80, s25;
	[sflag:s20] =	ssyncadd.s32 $0xFFFFCE00  }
0x56: {  	[hbm4b:s26+s2] =	stream.linear.scatter [tilespmem:s17], [sflag:$0x2], $0x3200, $0x38;
	[tilespmem:$0x12C00] =	vst v63  }
0x57: {  	s26 =	sadd.s32 $0x12C0, s25  }
0x58: {  	[hbm4b:s26+s2] =	stream.linear.scatter [tilespmem:s19], [sflag:$0x2], $0x3200, $0x38;
	[tilespmem:$0x12C00] =	vst v63  }
0x59: {  	s26 =	sadd.s32 $0xFFFFFDA8, s24  }
0x5a: {  	[tilespmem:s13], [sflag:$0x1] =	stream.indirect.gather [hbm4b:s3+s12], $0x40, s26, s12, $0xb8;
	[tilespmem:$0x12C00] =	vst v63  }
0x5b: {  	s26 =	sadd.s32 $0xFFFFFE70, s24  }
0x5c: {  	[tilespmem:s14], [sflag:$0x1] =	stream.indirect.gather [hbm4b:s3+s12], $0x40, s26, s12, $0xb8;
	[tilespmem:$0x12C00] =	vst v63  }
0x5d: {  	_ =	swait.ge [sflag:s15], $0x3200  }
0x5e: {  	[sflag:s15] =	ssyncset.done $0x0  }
0x5f: {  	[sflag:s15] =	ssyncadd.s32 $0xFFFFCE00  }
0x60: {  	_ =	swait.ge [sflag:s15], $0x3200  }
0x61: {  	[sflag:s15] =	ssyncset.done $0x0  }
0x62: {  	[sflag:s15] =	ssyncadd.s32 $0xFFFFCE00  }
0x63: {  	_ =	swait.ge [sflag:s20], $0x3200  }
0x64: {  	[sflag:s20] =	ssyncset.done $0x0  }
0x65: {  	[sflag:s20] =	ssyncadd.s32 $0xFFFFCE00  }
0x66: {  	_ =	swait.ge [sflag:s20], $0x3200  }
0x67: {  	[sflag:s20] =	ssyncset.done $0x0  }
0x68: {  	s26 =	sadd.s32 $0x1900, s25;
	[sflag:s20] =	ssyncadd.s32 $0xFFFFCE00  }
0x69: {  	[hbm4b:s26+s2] =	stream.linear.scatter [tilespmem:s13], [sflag:$0x2], $0x3200, $0x38;
	[tilespmem:$0x12C00] =	vst v63  }
.Ltmp0:
0x6a: {  	s25 =	sadd.s32 $0x1F40, s25;
	(pc) =	sbr.rel @p0 .LBB2_2-.Ltmp0, $4  }
0x6b: {  	[hbm4b:s25+s2] =	stream.linear.scatter [tilespmem:s14], [sflag:$0x2], $0x3200, $0x38;
	[tilespmem:$0x12C00] =	vst v63  }
0x6c: {  	s25 =	sadd.s32 $0xFFFFFF38, s24  }
0x6d: {  	[tilespmem:s17], [sflag:$0x1] =	stream.indirect.gather [hbm4b:s3+s12], $0x40, s25, s12, $0xb8;
	[tilespmem:$0x12C00] =	vst v63  }
0x6e: {  	s24 =	sadd.s32 $0x320, s24  }
0x6f: {  	[tilespmem:s19], [sflag:$0x1] =	stream.indirect.gather [hbm4b:s3+s12], $0x40, s22, s12, $0xb8;
	[tilespmem:$0x12C00] =	vst v63  }
0x70: {  	_ =	swait.ge [sflag:s15], $0x3200  }
0x71: {  	[sflag:s15] =	ssyncset.done $0x0  }
0x72: {  	[sflag:s15] =	ssyncadd.s32 $0xFFFFCE00  }
0x73: {  	_ =	swait.ge [sflag:s15], $0x3200  }
0x74: {  	[sflag:s15] =	ssyncset.done $0x0  }
0x75: {  	[sflag:s15] =	ssyncadd.s32 $0xFFFFCE00  }
0x76: {  	_ =	swait.ge [sflag:s20], $0x3200  }
0x77: {  	[sflag:s20] =	ssyncset.done $0x0  }
0x78: {  	[sflag:s20] =	ssyncadd.s32 $0xFFFFCE00  }
0x79: {  	_ =	swait.ge [sflag:s20], $0x3200  }
0x7a: {  	[sflag:s20] =	ssyncset.done $0x0  }
0x7b: {  	[sflag:s20] =	ssyncadd.s32 $0xFFFFCE00  }
0x7c: {  	[hbm4b:s7+s2] =	stream.linear.scatter [tilespmem:s17], [sflag:$0x2], $0x3200, $0x38;
	[tilespmem:$0x12C00] =	vst v63  }
0x7d: {  	s21 =	sadd.s32 $0x1, s21  }
0x7e: {  	[hbm4b:s8+s2] =	stream.linear.scatter [tilespmem:s19], [sflag:$0x2], $0x3200, $0x38;
	[tilespmem:$0x12C00] =	vst v63  }
0x7f: {  	p0 =	sne.s32 s21, s9;
	_ =	swait.ge [sflag:s20], $0x3200  }
.Ltmp1:
0x80: {  	[sflag:s20] =	ssyncset.done $0x0;
	(pc) =	sbr.rel @p0 .LBB2_1-.Ltmp1, $4  }
0x81: {  	[sflag:s20] =	ssyncadd.s32 $0xFFFFCE00  }
0x82: {  	_ =	swait.ge [sflag:s20], $0x3200  }
0x83: {  	[sflag:s20] =	ssyncset.done $0x0  }
0x84: {  	[sflag:s20] =	ssyncadd.s32 $0xFFFFCE00  }
0x85: {  	_ =	sfence.sel $0x180000  }
0x86: {  	[bflag:$0x0] =	sbarrier.arrive $0xFFFF  }
0x87: {  	p0 =	sne.s32 s0, $0x0;
	_ =	strace $0x90000047  }
0x88: {  	s0 =	sadd.s32 @!p0 $0x100000, s1;
	[bflag:$0x2] =	sbarrier.arrive $0xFFFF  }
0x89: {  	[sflag:s0] =	ssyncadd.tile.s32 @!p0 $0x1;
	_ =	shalt  }
.Lfunc_end2:
_tile_overlayer_lowered:
.L_overlay_start_2:
0x8a: {  	(tag) =	ssettag $0x2  }
0x8b: {  	s0 =	rddreg [dreg:$0x0];
	s2 =	stileid.u32  }
0x8c: {  	s1 =	rddreg [dreg:$0x1];
	p0 =	sne.s32 s2, $0x0  }
0x8d: {  	s3 =	rddreg [dreg:$0x2];
	[bflag:$0x3] =	sbarrier.arrive $0xFFFF;
	s2 =	simm.s32 @!p0 $0x1C03  }
0x8e: {  	[timem:s3], [sflag:s2] =	dma.local @!p0 [hbm:s0], s1  }
0x8f: {  	s0 =	simm.s32 @!p0 $0x3  }
0x90: {  	_ =	swait.ge @!p0 [sflag:s0], s1  }
0x91: {  	s1 =	ssub.s32 @!p0 $0x0, s1;
	[sflag:s0] =	ssyncset.done @!p0 $0x0  }
0x92: {  	[sflag:s0] =	ssyncadd.s32 @!p0 s1  }
0x93: {  	[bflag:$0x3] =	sbarrier.arrive $0xFFFF  }
0x94: {  	_ =	shalt  }

// kernel: sparse-core-data-format-call.cloned.1.call-start
scs
called_computation_lowered:
.L_overlay_start_0:
0x0: {  	s2 =	sld [smem:$0x3FD9]  }
0x1: {  	s3 =	sld [smem:$0x3FFE];
	_ =	sdelay $0x1  }
0x2: {  	s1 =	srdreg.scid  }
0x3: {  	s0 =	sand.u32 $0x1, s1  }
0x4: {  	s18 =	sshll.u32 s0, $0xA;
	s2 =	sadd.s32 s3, s2  }
0x5: {  	s2 =	sadd.s32 s2, s18  }
0x6: {  	[smem:$0x3FC6] =	sst s2  }
0x7: {  	_ = 	snop  }
0x8: {  	s2 =	sld [smem:$0x3FD0];
	(tm) =	ssettm $0x1  }
0x9: {  	s19 =	sld [smem:$0x3FFB];
	_ =	sdelay $0x3  }
0xa: {  	_ =	strace s19  }
0xb: {  	s3 =	sld [smem:$0x3FFC];
	_ =	sdelay $0x3  }
0xc: {  	_ =	strace s3  }
0xd: {  	s3 =	sld [smem:$0x3FFD];
	_ =	sdelay $0x3  }
0xe: {  	_ =	strace s3  }
0xf: {  	_ =	strace $0x8FFFFFFF  }
0x10: {  	s20 =	sld [smem:$0x3FDB];
	_ =	sdelay $0x1  }
0x11: {  	s4 =	simm.s32 $_scs_section_size  }
0x12: {  	s5 =	simm.s32 $_size__tile_overlayer_lowered;
	s6 =	simm.s32 $_tile_overlayer_lowered  }
0x13: {  	s23 =	simm.s32 $0x1BFF;
	s22 =	sshll.u32 s6, $0x1;
	s3 =	sadd.s32 s4, s20  }
0x14: {  	s7 =	simm.s32 $0x0;
	s21 =	sshll.u32 s5, $0x1;
	s5 =	sadd.s32 s22, s3  }
0x15: {  	[timem:s7], [sflag:s23] =	dma.local [hbm:s5], s21  }
0x16: {  	_ =	swait.ge [sflag:s23], s21  }
0x17: {  	s4 =	ssub.s32 $0x0, s21;
	[sflag:s23] =	ssyncset.done $0x0  }
0x18: {  	[sflag:s23] =	ssyncadd.s32 s4;
	_ =	sdelay $0x1  }
0x19: {  	s24 =	simm.s32 $0x1B8B  }
0x1a: {  	_ =	swait.ge [sflag:s24], $0x1  }
0x1b: {  	[sflag:s24] =	ssyncset.done $0x0  }
0x1c: {  	s26 =	simm.s32 $0x1B8E;
	s25 =	sld [smem:$0x3FFE];
	[sflag:s24] =	ssyncadd.s32 $0xFFFFFFFF  }
0x1d: {  	s27 =	simm.s32 $execute0_lowered;
	[smem:$0x3FD2] =	sst s26  }
0x1e: {  	s5 =	sshll.u32 s27, $0x1;
	_ =	strace $0x80000049;
	[dreg:$0x1] =	wrdreg $0xFFFFFFFF  }
0x1f: {  	s28 =	simm.s32 $_size_execute0_lowered;
	s3 =	sadd.s32 s3, s5;
	[dreg:$0x0] =	wrdreg $0x0  }
0x20: {  	s5 =	sshll.u32 s28, $0x1;
	[dreg:$0x2] =	wrdreg s3  }
0x21: {  	[dreg:$0x3] =	wrdreg s5  }
0x22: {  	[dreg:$0x4] =	wrdreg $0xC0  }
0x23: {  	_ =	task [dreg:s7], $0x5FFFF  }
0x24: {  	[dreg:$0x1] =	wrdreg $0xFFFFFFFF  }
0x25: {  	[dreg:$0x0] =	wrdreg $0x60  }
0x26: {  	[dreg:$0x2] =	wrdreg s25  }
0x27: {  	[dreg:$0x3] =	wrdreg s2  }
0x28: {  	[dreg:$0x4] =	wrdreg $0x9  }
0x29: {  	_ =	task.clear_ibuf [dreg:s7], $0x5FFFF;
	_ =	strace $0x90000049  }
0x2a: {  	s29 =	simm.s32 $0x9;
	_ =	strace $0x8000004B  }
0x2b: {  	_ =	swait.ge [sflag:s29], $0x1  }
0x2c: {  	[sflag:s29] =	ssyncadd.s32 $0xFFFFFFFF  }
0x2d: {  	_ =	strace $0x9000004B  }
0x2e: {  	_ =	sfence  }
0x2f: {  	s30 =	sld [smem:$0x0];
	_ =	sdelay $0x2  }
0x30: {  	s31 =	sshll.u32 s1, $0xD;
	s1 =	sshrl.u32 s1, $0x2  }
0x31: {  	s3 =	sand.u32 $0x4000, s31;
	s1 =	sadd.s32 s1, s30  }
0x32: {  	s0 =	sor.u32 s3, s0;
	s1 =	sshll.u32 s1, $0x11  }
0x33: {  	s0 =	sor.u32 s1, s0  }
0x34: {  	s0 =	sadd.s32 $0x8F2B, s0  }
0x35: {  	[sflag:s0] =	ssyncadd.remote.s32 $0x1  }
0x36: {  	_ =	sfence.sel $0xFFFF  }
0x37: {  	[dreg:$0x0] =	wrdreg $0xFFFFFFFF;
	(pc) =	sbr.abs _section_cstart, $3  }
0x38: {  	[dreg:$0x1] =	wrdreg $0xFFFFFFFF  }
0x39: {  	_ =	task.clear_ibuf [dreg:s7], $0x2FFFF;
	_ =	strace $0x9FFFFFFF  }
0x3a: {  	(tm) =	ssettm $0x7FFFFFFF  }
0x3b: {  	_ =	shalt  }
tec
execute0_lowered:
.L_overlay_start_1:
0x0: {  	(tag) =	ssettag $0x1  }
0x1: {  	s0 =	srdreg.scid  }
0x2: {  	s1 =	sshll.u32 s0, $0x4  }
0x3: {  	s0 =	stileid.u32;
	s1 =	sand.u32 $0x10, s1  }
0x4: {  	s1 =	sor.u32 s0, s1  }
0x5: {  	s6 =	rddreg [dreg:$0x0];
	s4 =	simm.s32 $0x1;
	s2 =	sshll.u32 s1, $0x7  }
0x6: {  	s7 =	simm.s32 $0x2;
	s12 =	simm.s32 $0x0;
	s1 =	ssub.s32 $0x1000, s2  }
0x7: {  	s8 =	simm.s32 $0x8000;
	s13 =	simm.s32 $0x0;
	s3 =	sand.u32 $0xF80, s1  }
0x8: {  	s9 =	simm.s32 $0x0;
	s5 =	sshrl.u32 s1, $0xC;
	p0 =	sne.s32 s3, $0x0  }
.Ltmp0:
0x9: {  	s1 =	rddreg [dreg:$0x2];
	s4 =	simm.s32 @!p0 $0x0;
	(pc) =	sbr.rel .LBB1_1-.Ltmp0, $4  }
0xa: {  	s11 =	simm.s32 $0x0;
	s3 =	rddreg [dreg:$0x1];
	s5 =	sadd.s32 s4, s5  }
0xb: {  	_ =	strace $0x8000004A;
	s4 =	simm.s32 $0x1;
	s5 =	smul.u32 $0xC8, s5  }
0xc: {  	s6 =	sadd.s32 $0xA00, s6;
	s10 =	smov.u32 s2;
	[sflag:s4] =	ssyncpa.u1 $0x0  }
0xd: {  	p0 =	por $0x0, $0x0;
	[sflag:s7] =	ssyncpa.u1 $0x0;
	s7 =	sor.u32 $0x1, s5  }
.LBB1_4:
0xe: {  	s16 =	sshll.u32 s13, $0x3;
	s17 =	sand.u32 $0x78, s13  }
0xf: {  	s30 =	sand.u32 $0x7E00, s13;
	s12 =	sshll.u32 s12, $0xF;
	s16 =	sand.u32 $0xC00, s16  }
0x10: {  	[tilespmem:s15+$0x810 ss:$0x81] =	vst.msk $0xffff, v2;
	s31 =	sand.u32 $0x7, s13;
	s16 =	sor.u32 s17, s16;
	s17 =	sadd.s32 s3, s30  }
0x11: {  	[tilespmem:s15+$0x1020 ss:$0x81] =	vst.msk $0xffff, v0;
	s13 =	sshll.u32 s31, $0x12;
	s12 =	sadd.s32 s12, s17;
	s16 =	sshrl.u32 s16, $0x3  }
0x12: {  	[tilespmem:s15+$0x0 ss:$0x81] =	vst.msk $0xffff, v1;
	s13 =	sor.u32 $0x400, s13;
	s12 =	sadd.s32 s16, s12  }
0x13: {  	[hbm4b:s12+s13] =	stream.strided.scatter [tilespmem:s14], [sflag:$0x2], $0x2000, s8, s13, $0x20;
	[tilespmem:$0x8080] =	vst v63  }
.LBB1_5:
0x14: {  	s14 =	sadd.s32 $0x1, s9  }
0x15: {  	s12 =	sadd.s32 $0x1000, s10;
	s16 =	smov.u32 s10;
	p2 =	sgt.s32 s14, $0xC7  }
0x16: {  	s16 =	smov.u32 @p2 s12  }
0x17: {  	s14 =	simm.s32 @p2 $0x0;
	p2 =	sgt.s32 s16, $0xFFF  }
0x18: {  	s16 =	smov.u32 @p2 s2;
	p2 =	sne.s32 s11, s7  }
.Ltmp1:
0x19: {  	p1 =	slt.u32 s11, $0x2;
	(pc) =	sbr.rel @!p2 .LBB1_6-.Ltmp1, $4  }
0x1a: {  	s15 =	simm.s32 @!p1 $0x2  }
0x1b: {  	s13 =	smov.u32 s10;
	p0 =	por !p0, !p0;
	_ =	swait.ge @!p1 [sflag:s15], $0x2000  }
0x1c: {  	s12 =	smov.u32 s9;
	[sflag:s15] =	ssyncset.done @!p1 $0x0;
	s9 =	smov.u32 s14  }
0x1d: {  	s11 =	sadd.s32 $0x1, s11;
	[sflag:s15] =	ssyncadd.s32 @!p1 $0xFFFFE000;
	s10 =	smov.u32 s16  }
.LBB1_1:
0x1e: {  	p1 =	sge.u32 s11, s5  }
0x1f: {  	s14 =	sand.u32 @!p1 $0x1FFFFFF, s9  }
0x20: {  	s15 =	smulhi.u32 @!p1 $0x147AE15, s14;
	_ =	sdelay $0x1  }
0x21: {  	s15 =	smul.u32 @!p1 $0xC8, s15  }
0x22: {  	s16 =	sxor.u32 @!p1 $0xFFFFFFFF, s11;
	s17 =	smul.u32 @!p1 $0xC80, s10  }
0x23: {  	s31 =	sadd.s32 $0xFFFFFFFF, s11;
	s16 =	sshll.u32 @!p1 s16, $0xD;
	s14 =	ssub.s32 @!p1 s14, s15  }
0x24: {  	s15 =	sand.u32 @!p1 $0x2000, s16;
	s16 =	sadd.s32 @!p1 s6, s17;
	s14 =	sshll.u32 @!p1 s14, $0x4  }
0x25: {  	s17 =	simm.s32 @!p1 $0x6400;
	s14 =	sadd.s32 @!p1 s14, s16;
	s16 =	simm.s32 @!p1 $0x40  }
0x26: {  	[tilespmem:s15], [sflag:$0x1] =	stream.strided.gather @!p1 [hbm4b:s14+s16], $0x2000, s17, s16, $0x38;
	[tilespmem:$0x8080] =	vst v63  }
0x27: {  	p1 =	sge.u32 s31, s5  }
.Ltmp2:
0x28: {  	_ = 	snop;
	(pc) =	sbr.rel @p1 .LBB1_5-.Ltmp2, $1  }
0x29: {  	_ =	sdelay $0x3  }
0x2a: {  	s14 =	simm.s32 $0x1  }
0x2b: {  	_ =	swait.ge [sflag:s4], $0x2000;
	s14 =	simm.s32 @!p0 $0x0  }
0x2c: {  	[sflag:s4] =	ssyncset.done $0x0;
	s15 =	sshll.u32 s14, $0xD  }
0x2d: {  	[sflag:s4] =	ssyncadd.s32 $0xFFFFE000;
	s18 =	sor.u32 $0x20, s15  }
0x2e: {  	s14 =	smul.u32 $0x8100, s14;
	v3 =	vld [tilespmem:s18+$0x10]  }
0x2f: {  	s30 =	sand.u32 $0x1, s11;
	v2 =	vld [tilespmem:s18+$0xFFFFFFF0]  }
0x30: {  	s15 =	smul.u32 $0x8100, s30;
	s14 =	sshrl.u32 s14, $0x2;
	v0 =	vld [tilespmem:s18+$0x0]  }
0x31: {  	v1 =	vld [tilespmem:s18+$0xFFFFFFE0];
	s16 =	sor.u32 $0x4000, s14  }
0x32: {  	s31 =	sshrl.u32 s15, $0x2;
	s15 =	sadd.s32 $0x0, s16  }
0x33: {  	s17 =	simm.s32 $0x4;
	s18 =	sadd.s32 $0x40, s18;
	s14 =	sor.u32 $0x4000, s31;
	[tilespmem:s15+$0x1830 ss:$0x81] =	vst.msk $0xffff, v3  }
.LBB1_3:
0x34: {  	v3 =	vld [tilespmem:s18+$0x10];
	p1 =	sne.s32 s17, $0x1FC;
	[tilespmem:s15+$0x810 ss:$0x81] =	vst.msk $0xffff, v2;
	s19 =	smov.u32 s17;
	s17 =	sadd.s32 $0x4, s17  }
.Ltmp3:
0x35: {  	v2 =	vld [tilespmem:s18+$0xFFFFFFF0];
	[tilespmem:s15+$0x1020 ss:$0x81] =	vst.msk $0xffff, v0;
	(pc) =	sbr.rel @p1 .LBB1_3-.Ltmp3, $4  }
0x36: {  	v0 =	vld [tilespmem:s18+$0x0];
	[tilespmem:s15+$0x0 ss:$0x81] =	vst.msk $0xffff, v1  }
0x37: {  	s15 =	sshra.s32 s19, $0x2;
	v1 =	vld [tilespmem:s18+$0xFFFFFFE0]  }
0x38: {  	s15 =	sadd.s32 s15, s16  }
0x39: {  	s18 =	sadd.s32 $0x40, s18;
	[tilespmem:s15+$0x1830 ss:$0x81] =	vst.msk $0xffff, v3  }
.Ltmp4:
0x3a: {  	_ = 	snop;
	(pc) =	sbr.rel .LBB1_4-.Ltmp4, $1  }
0x3b: {  	_ =	sdelay $0x3  }
.LBB1_6:
0x3c: {  	_ =	sfence.sel $0x180000  }
0x3d: {  	s2 =	simm.s32 $0x1;
	[bflag:$0x0] =	sbarrier.arrive $0xFFFF  }
0x3e: {  	s31 =	simm.s32 $0x2;
	[sflag:s2] =	ssyncpa.u1 $0x1  }
0x3f: {  	[sflag:s31] =	ssyncpa.u1 $0x1  }
0x40: {  	p0 =	sne.s32 s0, $0x0;
	_ =	strace $0x9000004A  }
0x41: {  	s0 =	sadd.s32 @!p0 $0x100000, s1;
	[bflag:$0x2] =	sbarrier.arrive $0xFFFF  }
0x42: {  	[sflag:s0] =	ssyncadd.tile.s32 @!p0 $0x1;
	_ =	shalt  }
.Lfunc_end1:
_tile_overlayer_lowered:
.L_overlay_start_2:
0x43: {  	(tag) =	ssettag $0x2  }
0x44: {  	s0 =	rddreg [dreg:$0x0];
	s2 =	stileid.u32  }
0x45: {  	s1 =	rddreg [dreg:$0x1];
	p0 =	sne.s32 s2, $0x0  }
0x46: {  	s3 =	rddreg [dreg:$0x2];
	[bflag:$0x3] =	sbarrier.arrive $0xFFFF;
	s2 =	simm.s32 @!p0 $0x1C01  }
0x47: {  	[timem:s3], [sflag:s2] =	dma.local @!p0 [hbm:s0], s1  }
0x48: {  	s0 =	simm.s32 @!p0 $0x1  }
0x49: {  	_ =	swait.ge @!p0 [sflag:s0], s1  }
0x4a: {  	s1 =	ssub.s32 @!p0 $0x0, s1;
	[sflag:s0] =	ssyncset.done @!p0 $0x0  }
0x4b: {  	[sflag:s0] =	ssyncadd.s32 @!p0 s1  }
0x4c: {  	[bflag:$0x3] =	sbarrier.arrive $0xFFFF  }
0x4d: {  	_ =	shalt  }

</sc_bundles>
